<compile_context>
chip_gen: v7x
topology: tpu7x:2x2x1
jax: 0.10.2.dev20260603
libtpu: 0.0.44.dev20260713+nightly
codegen_flags: <defaults>
</compile_context>

<pallas_src>
import functools

import jax
import jax.numpy as jnp
from jax import lax
from jax.experimental import pallas as pl
from jax.experimental.pallas import tpu as pltpu
from jax.experimental.pallas import tpu_sc as plsc

NC = 2
NS = 16
NW = NC * NS
CH = 64


def _node_linear(x, w, b):
    n, d = x.shape
    br = 1000
    grid = (n // br,)

    def body(x_ref, w_ref, b_ref, o_ref):
        o_ref[...] = lax.dot_general(
            x_ref[...], w_ref[...], (((1,), (1,)), ((), ())),
            preferred_element_type=jnp.float32) + b_ref[...]

    return pl.pallas_call(
        body,
        grid=grid,
        in_specs=[
            pl.BlockSpec((br, d), lambda i: (i, 0)),
            pl.BlockSpec((d, d), lambda i: (0, 0)),
            pl.BlockSpec((1, d), lambda i: (0, 0)),
        ],
        out_specs=pl.BlockSpec((br, d), lambda i: (i, 0)),
        out_shape=jax.ShapeDtypeStruct((n, d), jnp.float32),
    )(x, w, b.reshape(1, d))


def _combine(partials, n):
    _, _, d = partials.shape
    br = 1000
    grid = (n // br,)

    def body(a_ref, b_ref, o_ref):
        o_ref[...] = a_ref[0] + b_ref[0]

    return pl.pallas_call(
        body,
        grid=grid,
        in_specs=[
            pl.BlockSpec((1, br, d), lambda i: (0, i, 0)),
            pl.BlockSpec((1, br, d), lambda i: (1, i, 0)),
        ],
        out_specs=pl.BlockSpec((br, d), lambda i: (i, 0)),
        out_shape=jax.ShapeDtypeStruct((n, d), jnp.float32),
    )(partials, partials)


NBUF = 4


def _scatter_partials(h, n0r, n1r, zrows, n_pad, steps):
    _, d = h.shape
    rps = n_pad // NS
    mesh = plsc.VectorSubcoreMesh(core_axis_name="c", subcore_axis_name="s")

    @functools.partial(
        pl.kernel,
        out_type=jax.ShapeDtypeStruct((NC, n_pad, d), jnp.float32),
        mesh=mesh,
        scratch_types=[
            pltpu.VMEM((NBUF, CH), jnp.int32),
            pltpu.VMEM((NBUF, CH), jnp.int32),
            [pltpu.VMEM((CH, d), jnp.float32)] * NBUF,
            pltpu.VMEM_SHARED((n_pad, d), jnp.float32),
            [pltpu.SemaphoreType.DMA] * NBUF,
            [pltpu.SemaphoreType.DMA] * NBUF,
            [pltpu.SemaphoreType.DMA] * NBUF,
        ],
    )
    def k(h_hbm, n0_hbm, n1_hbm, z_hbm, out_hbm, i1r, i0r, rows, acc,
          rsems, isems, jsems):
        c = lax.axis_index("c")
        s = lax.axis_index("s")
        base = (c * NS + s) * steps
        total = n0_hbm.shape[0]
        nch = jnp.clip(total - base, 0, steps)
        pltpu.sync_copy(z_hbm, acc.at[pl.ds(s * rps, rps)])
        plsc.subcore_barrier()

        for b in range(NBUF):
            @pl.when(b < nch)
            def _():
                pltpu.async_copy(n0_hbm.at[base + b], i0r.at[b], isems[b])
                pltpu.async_copy(n1_hbm.at[base + b], i1r.at[b], jsems[b])
        for b in range(NBUF):
            @pl.when(b < nch)
            def _():
                pltpu.make_async_copy(
                    n1_hbm.at[0], i1r.at[b], jsems[b]).wait()
                pltpu.async_copy(h_hbm.at[i1r.at[b]], rows[b], rsems[b])

        def step(i, carry):
            for b in range(NBUF):
                ch = i * NBUF + b

                @pl.when(ch < nch)
                def _():
                    pltpu.make_async_copy(
                        h_hbm.at[pl.ds(0, CH)], rows[b], rsems[b]).wait()

                    @pl.when(ch + NBUF < nch)
                    def _():
                        pltpu.async_copy(
                            n1_hbm.at[base + ch + NBUF], i1r.at[b], jsems[b])
                    pltpu.make_async_copy(
                        n0_hbm.at[0], i0r.at[b], isems[b]).wait()
                    pltpu.sync_copy(rows[b], acc.at[i0r.at[b]], add=True)

                    @pl.when(ch + NBUF < nch)
                    def _():
                        pltpu.async_copy(
                            n0_hbm.at[base + ch + NBUF], i0r.at[b], isems[b])
                        pltpu.make_async_copy(
                            n1_hbm.at[0], i1r.at[b], jsems[b]).wait()
                        pltpu.async_copy(
                            h_hbm.at[i1r.at[b]], rows[b], rsems[b])
            return carry

        lax.fori_loop(0, (nch + NBUF - 1) // NBUF, step, 0)
        plsc.subcore_barrier()
        pltpu.sync_copy(acc.at[pl.ds(s * rps, rps)],
                        out_hbm.at[c].at[pl.ds(s * rps, rps)])

    return k(h, n0r, n1r, zrows)


def kernel(node_attributes, edge_attributes, W_node, b_node, W_edge, b_edge,
           W_att, b_att, edge_node_indices):
    n, d = node_attributes.shape
    e = edge_node_indices.shape[1]

    e_pad = -(-e // CH) * CH
    steps = -(-(e_pad // CH) // NW)
    n_pad = -(-(n + 1) // (NS * 8)) * (NS * 8)

    n0 = edge_node_indices[0]
    n1 = edge_node_indices[1]
    pad = e_pad - e
    if pad:
        pad_n0 = n + jax.lax.rem(jnp.arange(pad, dtype=jnp.int32),
                                 jnp.int32(n_pad - n))
        pad_n1 = jax.lax.rem(jnp.arange(pad, dtype=jnp.int32), jnp.int32(n))
        n0 = jnp.concatenate([n0, pad_n0])
        n1 = jnp.concatenate([n1, pad_n1])
    n0r = n0.reshape(-1, CH)
    n1r = n1.reshape(-1, CH)
    zrows = jnp.zeros((n_pad // NS, d), jnp.float32)

    h = _node_linear(node_attributes, W_node, b_node)
    partials = _scatter_partials(h, n0r, n1r, zrows, n_pad, steps)
    return _combine(partials, n)

# --- scband reference (transcript-rebuilt; emitter-appended) ---
"""Pipeline reference for scband-simple-convolution-net-11424613007851 (READ-ONLY COPY).

The authoritative reference and input builder live on the scoring server;
editing this copy changes nothing except your own understanding.
"""

import jax, jax.numpy as jnp
import numpy as np


def setup_inputs(seed: int = 0) -> dict:
    key = jax.random.key(seed)
    ks = jax.random.split(key, 8)
    N, E, D, DE = 10000, 320000, 128, 16
    node_attributes = jax.random.normal(ks[0], (N, D), dtype=jnp.float32)
    edge_node_indices = jax.random.randint(ks[1], (2, E), 0, N, dtype=jnp.int32)
    edge_attributes = jax.random.normal(ks[2], (E, DE), dtype=jnp.float32)
    # Learned parameters (PyTorch Linear convention: y = x @ W.T + b)
    W_node = jax.random.normal(ks[3], (D, D), dtype=jnp.float32) * 0.05
    b_node = jnp.zeros((D,), dtype=jnp.float32)
    W_edge = jax.random.normal(ks[4], (DE, DE), dtype=jnp.float32) * 0.05
    b_edge = jnp.zeros((DE,), dtype=jnp.float32)
    W_att = jax.random.normal(ks[5], (1, 2 * D + DE), dtype=jnp.float32) * 0.05
    b_att = jnp.zeros((1,), dtype=jnp.float32)
    return {
        "node_attributes": node_attributes,
        "edge_attributes": edge_attributes,
        "W_node": W_node,
        "b_node": b_node,
        "W_edge": W_edge,
        "b_edge": b_edge,
        "W_att": W_att,
        "b_att": b_att,
        "edge_node_indices": edge_node_indices,
    }


def reference(node_attributes, edge_attributes, W_node, b_node, W_edge, b_edge, W_att, b_att, edge_node_indices):
    n0 = edge_node_indices[0]
    n1 = edge_node_indices[1]
    node_size = node_attributes.shape[0]
    out_channels = W_node.shape[0]
    # gather + linear on both endpoints
    h0 = node_attributes[n0] @ W_node.T + b_node
    h1 = node_attributes[n1] @ W_node.T + b_node
    e = edge_attributes @ W_edge.T + b_edge
    alpha = jnp.concatenate([h0, h1, e], axis=1) @ W_att.T + b_att
    alpha = jax.nn.leaky_relu(alpha, negative_slope=0.01)
    # faithful to torch: softmax over dim=1 of an [E, 1] tensor
    alpha = jax.nn.softmax(alpha, axis=1)
    state = alpha * h1
    # scatter_sum into zero-initialized output
    z = jnp.zeros((node_size, out_channels), dtype=state.dtype).at[n0].add(state)
    return z

if __name__ == "__main__":
    import jax
    _d = setup_inputs()
    print(jax.jit(kernel)(*tuple(_d.values())))

</pallas_src>

<mosaic_0001>
#map = affine_map<(d0, d1) -> (0, 0)>
#map1 = affine_map<(d0, d1) -> (0, 0, 0)>
module attributes {stable_mosaic.version = 14 : i64} {
  func.func @k(%arg0: i32, %arg1: i32, %arg2: memref<10000x128xf32, #tpu.memory_space<hbm>>, %arg3: memref<5000x64xi32, #tpu.memory_space<hbm>>, %arg4: memref<5000x64xi32, #tpu.memory_space<hbm>>, %arg5: memref<632x128xf32, #tpu.memory_space<hbm>>, %arg6: memref<2x10112x128xf32, #tpu.memory_space<hbm>>, %arg7: memref<4x64xi32, #tpu.memory_space<vmem>>, %arg8: memref<4x64xi32, #tpu.memory_space<vmem>>, %arg9: memref<64x128xf32, #tpu.memory_space<vmem>>, %arg10: memref<64x128xf32, #tpu.memory_space<vmem>>, %arg11: memref<64x128xf32, #tpu.memory_space<vmem>>, %arg12: memref<64x128xf32, #tpu.memory_space<vmem>>, %arg13: memref<10112x128xf32, #tpu.memory_space<vmem_shared>>, %arg14: memref<!tpu.dma_semaphore, #tpu.memory_space<semaphore_mem>>, %arg15: memref<!tpu.dma_semaphore, #tpu.memory_space<semaphore_mem>>, %arg16: memref<!tpu.dma_semaphore, #tpu.memory_space<semaphore_mem>>, %arg17: memref<!tpu.dma_semaphore, #tpu.memory_space<semaphore_mem>>, %arg18: memref<!tpu.dma_semaphore, #tpu.memory_space<semaphore_mem>>, %arg19: memref<!tpu.dma_semaphore, #tpu.memory_space<semaphore_mem>>, %arg20: memref<!tpu.dma_semaphore, #tpu.memory_space<semaphore_mem>>, %arg21: memref<!tpu.dma_semaphore, #tpu.memory_space<semaphore_mem>>, %arg22: memref<!tpu.dma_semaphore, #tpu.memory_space<semaphore_mem>>, %arg23: memref<!tpu.dma_semaphore, #tpu.memory_space<semaphore_mem>>, %arg24: memref<!tpu.dma_semaphore, #tpu.memory_space<semaphore_mem>>, %arg25: memref<!tpu.dma_semaphore, #tpu.memory_space<semaphore_mem>>) attributes {dimension_semantics = [#tpu.dimension_semantics<core_parallel>, #tpu.dimension_semantics<subcore_parallel>], iteration_bounds = array<i64: 2, 16>, scalar_prefetch = 0 : i64, scratch_operands = 19 : i64, tpu.core_type = #tpu.core_type<sc_vector_subcore>, window_params = [{transform_indices = #map}, {transform_indices = #map}, {transform_indices = #map}, {transform_indices = #map}, {transform_indices = #map1}]} {
    %mul3A = arith.constant 16 : i32
    %mul3A_0 = arith.muli %arg0, %mul3A : i32
    %add3A = arith.addi %mul3A_0, %arg1 : i32
    %mul3A_1 = arith.constant 157 : i32
    %mul3A_2 = arith.muli %add3A, %mul3A_1 : i32
    %sub3A = arith.constant 5000 : i32
    %sub3A_3 = arith.subi %sub3A, %mul3A_2 : i32
    %jit3A = arith.constant 0 : i32
    %jit3A_4 = arith.constant 157 : i32
    %max3A = arith.maxsi %jit3A, %sub3A_3 : i32
    %min3A = arith.minsi %jit3A_4, %max3A : i32
    %mul3A_5 = arith.constant 632 : i32
    %mul3A_6 = arith.muli %arg1, %mul3A_5 : i32
    "tpu.region"() ({
      %run_scoped3A = tpu.sem_alloc : memref<!tpu.dma_semaphore, #tpu.memory_space<semaphore_mem>>
      %dma_start3A = arith.constant 0 : i32
      %dma_start3A_80 = tpu.memref_slice %arg13[%mul3A_6, %dma_start3A] : memref<10112x128xf32, #tpu.memory_space<vmem_shared>> -> memref<632x128xf32, #tpu.memory_space<vmem_shared>>
      tpu.enqueue_dma source(%arg5 : memref<632x128xf32, #tpu.memory_space<hbm>>) target(%dma_start3A_80 : memref<632x128xf32, #tpu.memory_space<vmem_shared>>) target_semaphore(%run_scoped3A : memref<!tpu.dma_semaphore, #tpu.memory_space<semaphore_mem>>)
      %dma_wait3A = arith.constant 0 : i32
      %dma_wait3A_81 = tpu.memref_slice %arg13[%mul3A_6, %dma_wait3A] : memref<10112x128xf32, #tpu.memory_space<vmem_shared>> -> memref<632x128xf32, #tpu.memory_space<vmem_shared>>
      tpu.wait_dma2 semaphore(%run_scoped3A : memref<!tpu.dma_semaphore, #tpu.memory_space<semaphore_mem>>) src(%arg5 : memref<632x128xf32, #tpu.memory_space<hbm>>) dst(%dma_wait3A_81 : memref<632x128xf32, #tpu.memory_space<vmem_shared>>)
      tpu.yield
    }) : () -> ()
    %barrier3A = arith.constant 0 : index
    tpu.barrier barrier_id(%barrier3A)
    %gt3A = arith.constant 0 : i32
    %gt3A_7 = arith.cmpi sgt, %min3A, %gt3A : i32
    %convert_element_type3A = arith.extui %gt3A_7 : i1 to i32
    %cond3A = arith.constant 0 : i32
    %cond3A_8 = arith.cmpi ne, %convert_element_type3A, %cond3A : i32
    scf.if %cond3A_8 {
      %add3A_80 = arith.constant 0 : i32
      %add3A_81 = arith.addi %mul3A_2, %add3A_80 : i32
      %dma_start3A = arith.constant 0 : i32
      %dma_start3A_82 = arith.constant 0 : i32
      %dma_start3A_83 = tpu.memref_slice %arg8[%dma_start3A, %dma_start3A_82] : memref<4x64xi32, #tpu.memory_space<vmem>> -> memref<1x64xi32, #tpu.memory_space<vmem>>
      %dma_start3A_84 = tpu.memref_squeeze %dma_start3A_83 : memref<1x64xi32, #tpu.memory_space<vmem>> -> memref<64xi32, #tpu.memory_space<vmem>>
      %dma_start3A_85 = arith.constant 0 : i32
      %dma_start3A_86 = tpu.memref_slice %arg3[%add3A_81, %dma_start3A_85] : memref<5000x64xi32, #tpu.memory_space<hbm>> -> memref<1x64xi32, #tpu.memory_space<hbm>>
      %dma_start3A_87 = tpu.memref_squeeze %dma_start3A_86 : memref<1x64xi32, #tpu.memory_space<hbm>> -> memref<64xi32, #tpu.memory_space<hbm>>
      %dma_start3A_88 = arith.constant 0 : i32
      %dma_start3A_89 = tpu.memref_slice %arg8[%dma_start3A, %dma_start3A_88] : memref<4x64xi32, #tpu.memory_space<vmem>> -> memref<1x64xi32, #tpu.memory_space<vmem>>
      %dma_start3A_90 = tpu.memref_squeeze %dma_start3A_89 : memref<1x64xi32, #tpu.memory_space<vmem>> -> memref<64xi32, #tpu.memory_space<vmem>>
      %dma_start3A_91 = arith.constant 0 : i32
      %dma_start3A_92 = tpu.memref_slice %arg3[%add3A_81, %dma_start3A_91] : memref<5000x64xi32, #tpu.memory_space<hbm>> -> memref<1x64xi32, #tpu.memory_space<hbm>>
      %dma_start3A_93 = tpu.memref_squeeze %dma_start3A_92 : memref<1x64xi32, #tpu.memory_space<hbm>> -> memref<64xi32, #tpu.memory_space<hbm>>
      tpu.enqueue_dma source(%dma_start3A_93 : memref<64xi32, #tpu.memory_space<hbm>>) target(%dma_start3A_90 : memref<64xi32, #tpu.memory_space<vmem>>) target_semaphore(%arg18 : memref<!tpu.dma_semaphore, #tpu.memory_space<semaphore_mem>>)
      %add3A_94 = arith.constant 0 : i32
      %add3A_95 = arith.addi %mul3A_2, %add3A_94 : i32
      %dma_start3A_96 = arith.constant 0 : i32
      %dma_start3A_97 = arith.constant 0 : i32
      %dma_start3A_98 = tpu.memref_slice %arg7[%dma_start3A_96, %dma_start3A_97] : memref<4x64xi32, #tpu.memory_space<vmem>> -> memref<1x64xi32, #tpu.memory_space<vmem>>
      %dma_start3A_99 = tpu.memref_squeeze %dma_start3A_98 : memref<1x64xi32, #tpu.memory_space<vmem>> -> memref<64xi32, #tpu.memory_space<vmem>>
      %dma_start3A_100 = arith.constant 0 : i32
      %dma_start3A_101 = tpu.memref_slice %arg4[%add3A_95, %dma_start3A_100] : memref<5000x64xi32, #tpu.memory_space<hbm>> -> memref<1x64xi32, #tpu.memory_space<hbm>>
      %dma_start3A_102 = tpu.memref_squeeze %dma_start3A_101 : memref<1x64xi32, #tpu.memory_space<hbm>> -> memref<64xi32, #tpu.memory_space<hbm>>
      %dma_start3A_103 = arith.constant 0 : i32
      %dma_start3A_104 = tpu.memref_slice %arg7[%dma_start3A_96, %dma_start3A_103] : memref<4x64xi32, #tpu.memory_space<vmem>> -> memref<1x64xi32, #tpu.memory_space<vmem>>
      %dma_start3A_105 = tpu.memref_squeeze %dma_start3A_104 : memref<1x64xi32, #tpu.memory_space<vmem>> -> memref<64xi32, #tpu.memory_space<vmem>>
      %dma_start3A_106 = arith.constant 0 : i32
      %dma_start3A_107 = tpu.memref_slice %arg4[%add3A_95, %dma_start3A_106] : memref<5000x64xi32, #tpu.memory_space<hbm>> -> memref<1x64xi32, #tpu.memory_space<hbm>>
      %dma_start3A_108 = tpu.memref_squeeze %dma_start3A_107 : memref<1x64xi32, #tpu.memory_space<hbm>> -> memref<64xi32, #tpu.memory_space<hbm>>
      tpu.enqueue_dma source(%dma_start3A_108 : memref<64xi32, #tpu.memory_space<hbm>>) target(%dma_start3A_105 : memref<64xi32, #tpu.memory_space<vmem>>) target_semaphore(%arg22 : memref<!tpu.dma_semaphore, #tpu.memory_space<semaphore_mem>>)
    } else {
    }
    %gt3A_9 = arith.constant 1 : i32
    %gt3A_10 = arith.cmpi sgt, %min3A, %gt3A_9 : i32
    %convert_element_type3A_11 = arith.extui %gt3A_10 : i1 to i32
    %cond3A_12 = arith.constant 0 : i32
    %cond3A_13 = arith.cmpi ne, %convert_element_type3A_11, %cond3A_12 : i32
    scf.if %cond3A_13 {
      %add3A_80 = arith.constant 1 : i32
      %add3A_81 = arith.addi %mul3A_2, %add3A_80 : i32
      %dma_start3A = arith.constant 1 : i32
      %dma_start3A_82 = arith.constant 0 : i32
      %dma_start3A_83 = tpu.memref_slice %arg8[%dma_start3A, %dma_start3A_82] : memref<4x64xi32, #tpu.memory_space<vmem>> -> memref<1x64xi32, #tpu.memory_space<vmem>>
      %dma_start3A_84 = tpu.memref_squeeze %dma_start3A_83 : memref<1x64xi32, #tpu.memory_space<vmem>> -> memref<64xi32, #tpu.memory_space<vmem>>
      %dma_start3A_85 = arith.constant 0 : i32
      %dma_start3A_86 = tpu.memref_slice %arg3[%add3A_81, %dma_start3A_85] : memref<5000x64xi32, #tpu.memory_space<hbm>> -> memref<1x64xi32, #tpu.memory_space<hbm>>
      %dma_start3A_87 = tpu.memref_squeeze %dma_start3A_86 : memref<1x64xi32, #tpu.memory_space<hbm>> -> memref<64xi32, #tpu.memory_space<hbm>>
      %dma_start3A_88 = arith.constant 0 : i32
      %dma_start3A_89 = tpu.memref_slice %arg8[%dma_start3A, %dma_start3A_88] : memref<4x64xi32, #tpu.memory_space<vmem>> -> memref<1x64xi32, #tpu.memory_space<vmem>>
      %dma_start3A_90 = tpu.memref_squeeze %dma_start3A_89 : memref<1x64xi32, #tpu.memory_space<vmem>> -> memref<64xi32, #tpu.memory_space<vmem>>
      %dma_start3A_91 = arith.constant 0 : i32
      %dma_start3A_92 = tpu.memref_slice %arg3[%add3A_81, %dma_start3A_91] : memref<5000x64xi32, #tpu.memory_space<hbm>> -> memref<1x64xi32, #tpu.memory_space<hbm>>
      %dma_start3A_93 = tpu.memref_squeeze %dma_start3A_92 : memref<1x64xi32, #tpu.memory_space<hbm>> -> memref<64xi32, #tpu.memory_space<hbm>>
      tpu.enqueue_dma source(%dma_start3A_93 : memref<64xi32, #tpu.memory_space<hbm>>) target(%dma_start3A_90 : memref<64xi32, #tpu.memory_space<vmem>>) target_semaphore(%arg19 : memref<!tpu.dma_semaphore, #tpu.memory_space<semaphore_mem>>)
      %add3A_94 = arith.constant 1 : i32
      %add3A_95 = arith.addi %mul3A_2, %add3A_94 : i32
      %dma_start3A_96 = arith.constant 1 : i32
      %dma_start3A_97 = arith.constant 0 : i32
      %dma_start3A_98 = tpu.memref_slice %arg7[%dma_start3A_96, %dma_start3A_97] : memref<4x64xi32, #tpu.memory_space<vmem>> -> memref<1x64xi32, #tpu.memory_space<vmem>>
      %dma_start3A_99 = tpu.memref_squeeze %dma_start3A_98 : memref<1x64xi32, #tpu.memory_space<vmem>> -> memref<64xi32, #tpu.memory_space<vmem>>
      %dma_start3A_100 = arith.constant 0 : i32
      %dma_start3A_101 = tpu.memref_slice %arg4[%add3A_95, %dma_start3A_100] : memref<5000x64xi32, #tpu.memory_space<hbm>> -> memref<1x64xi32, #tpu.memory_space<hbm>>
      %dma_start3A_102 = tpu.memref_squeeze %dma_start3A_101 : memref<1x64xi32, #tpu.memory_space<hbm>> -> memref<64xi32, #tpu.memory_space<hbm>>
      %dma_start3A_103 = arith.constant 0 : i32
      %dma_start3A_104 = tpu.memref_slice %arg7[%dma_start3A_96, %dma_start3A_103] : memref<4x64xi32, #tpu.memory_space<vmem>> -> memref<1x64xi32, #tpu.memory_space<vmem>>
      %dma_start3A_105 = tpu.memref_squeeze %dma_start3A_104 : memref<1x64xi32, #tpu.memory_space<vmem>> -> memref<64xi32, #tpu.memory_space<vmem>>
      %dma_start3A_106 = arith.constant 0 : i32
      %dma_start3A_107 = tpu.memref_slice %arg4[%add3A_95, %dma_start3A_106] : memref<5000x64xi32, #tpu.memory_space<hbm>> -> memref<1x64xi32, #tpu.memory_space<hbm>>
      %dma_start3A_108 = tpu.memref_squeeze %dma_start3A_107 : memref<1x64xi32, #tpu.memory_space<hbm>> -> memref<64xi32, #tpu.memory_space<hbm>>
      tpu.enqueue_dma source(%dma_start3A_108 : memref<64xi32, #tpu.memory_space<hbm>>) target(%dma_start3A_105 : memref<64xi32, #tpu.memory_space<vmem>>) target_semaphore(%arg23 : memref<!tpu.dma_semaphore, #tpu.memory_space<semaphore_mem>>)
    } else {
    }
    %gt3A_14 = arith.constant 2 : i32
    %gt3A_15 = arith.cmpi sgt, %min3A, %gt3A_14 : i32
    %convert_element_type3A_16 = arith.extui %gt3A_15 : i1 to i32
    %cond3A_17 = arith.constant 0 : i32
    %cond3A_18 = arith.cmpi ne, %convert_element_type3A_16, %cond3A_17 : i32
    scf.if %cond3A_18 {
      %add3A_80 = arith.constant 2 : i32
      %add3A_81 = arith.addi %mul3A_2, %add3A_80 : i32
      %dma_start3A = arith.constant 2 : i32
      %dma_start3A_82 = arith.constant 0 : i32
      %dma_start3A_83 = tpu.memref_slice %arg8[%dma_start3A, %dma_start3A_82] : memref<4x64xi32, #tpu.memory_space<vmem>> -> memref<1x64xi32, #tpu.memory_space<vmem>>
      %dma_start3A_84 = tpu.memref_squeeze %dma_start3A_83 : memref<1x64xi32, #tpu.memory_space<vmem>> -> memref<64xi32, #tpu.memory_space<vmem>>
      %dma_start3A_85 = arith.constant 0 : i32
      %dma_start3A_86 = tpu.memref_slice %arg3[%add3A_81, %dma_start3A_85] : memref<5000x64xi32, #tpu.memory_space<hbm>> -> memref<1x64xi32, #tpu.memory_space<hbm>>
      %dma_start3A_87 = tpu.memref_squeeze %dma_start3A_86 : memref<1x64xi32, #tpu.memory_space<hbm>> -> memref<64xi32, #tpu.memory_space<hbm>>
      %dma_start3A_88 = arith.constant 0 : i32
      %dma_start3A_89 = tpu.memref_slice %arg8[%dma_start3A, %dma_start3A_88] : memref<4x64xi32, #tpu.memory_space<vmem>> -> memref<1x64xi32, #tpu.memory_space<vmem>>
      %dma_start3A_90 = tpu.memref_squeeze %dma_start3A_89 : memref<1x64xi32, #tpu.memory_space<vmem>> -> memref<64xi32, #tpu.memory_space<vmem>>
      %dma_start3A_91 = arith.constant 0 : i32
      %dma_start3A_92 = tpu.memref_slice %arg3[%add3A_81, %dma_start3A_91] : memref<5000x64xi32, #tpu.memory_space<hbm>> -> memref<1x64xi32, #tpu.memory_space<hbm>>
      %dma_start3A_93 = tpu.memref_squeeze %dma_start3A_92 : memref<1x64xi32, #tpu.memory_space<hbm>> -> memref<64xi32, #tpu.memory_space<hbm>>
      tpu.enqueue_dma source(%dma_start3A_93 : memref<64xi32, #tpu.memory_space<hbm>>) target(%dma_start3A_90 : memref<64xi32, #tpu.memory_space<vmem>>) target_semaphore(%arg20 : memref<!tpu.dma_semaphore, #tpu.memory_space<semaphore_mem>>)
      %add3A_94 = arith.constant 2 : i32
      %add3A_95 = arith.addi %mul3A_2, %add3A_94 : i32
      %dma_start3A_96 = arith.constant 2 : i32
      %dma_start3A_97 = arith.constant 0 : i32
      %dma_start3A_98 = tpu.memref_slice %arg7[%dma_start3A_96, %dma_start3A_97] : memref<4x64xi32, #tpu.memory_space<vmem>> -> memref<1x64xi32, #tpu.memory_space<vmem>>
      %dma_start3A_99 = tpu.memref_squeeze %dma_start3A_98 : memref<1x64xi32, #tpu.memory_space<vmem>> -> memref<64xi32, #tpu.memory_space<vmem>>
      %dma_start3A_100 = arith.constant 0 : i32
      %dma_start3A_101 = tpu.memref_slice %arg4[%add3A_95, %dma_start3A_100] : memref<5000x64xi32, #tpu.memory_space<hbm>> -> memref<1x64xi32, #tpu.memory_space<hbm>>
      %dma_start3A_102 = tpu.memref_squeeze %dma_start3A_101 : memref<1x64xi32, #tpu.memory_space<hbm>> -> memref<64xi32, #tpu.memory_space<hbm>>
      %dma_start3A_103 = arith.constant 0 : i32
      %dma_start3A_104 = tpu.memref_slice %arg7[%dma_start3A_96, %dma_start3A_103] : memref<4x64xi32, #tpu.memory_space<vmem>> -> memref<1x64xi32, #tpu.memory_space<vmem>>
      %dma_start3A_105 = tpu.memref_squeeze %dma_start3A_104 : memref<1x64xi32, #tpu.memory_space<vmem>> -> memref<64xi32, #tpu.memory_space<vmem>>
      %dma_start3A_106 = arith.constant 0 : i32
      %dma_start3A_107 = tpu.memref_slice %arg4[%add3A_95, %dma_start3A_106] : memref<5000x64xi32, #tpu.memory_space<hbm>> -> memref<1x64xi32, #tpu.memory_space<hbm>>
      %dma_start3A_108 = tpu.memref_squeeze %dma_start3A_107 : memref<1x64xi32, #tpu.memory_space<hbm>> -> memref<64xi32, #tpu.memory_space<hbm>>
      tpu.enqueue_dma source(%dma_start3A_108 : memref<64xi32, #tpu.memory_space<hbm>>) target(%dma_start3A_105 : memref<64xi32, #tpu.memory_space<vmem>>) target_semaphore(%arg24 : memref<!tpu.dma_semaphore, #tpu.memory_space<semaphore_mem>>)
    } else {
    }
    %gt3A_19 = arith.constant 3 : i32
    %gt3A_20 = arith.cmpi sgt, %min3A, %gt3A_19 : i32
    %convert_element_type3A_21 = arith.extui %gt3A_20 : i1 to i32
    %cond3A_22 = arith.constant 0 : i32
    %cond3A_23 = arith.cmpi ne, %convert_element_type3A_21, %cond3A_22 : i32
    scf.if %cond3A_23 {
      %add3A_80 = arith.constant 3 : i32
      %add3A_81 = arith.addi %mul3A_2, %add3A_80 : i32
      %dma_start3A = arith.constant 3 : i32
      %dma_start3A_82 = arith.constant 0 : i32
      %dma_start3A_83 = tpu.memref_slice %arg8[%dma_start3A, %dma_start3A_82] : memref<4x64xi32, #tpu.memory_space<vmem>> -> memref<1x64xi32, #tpu.memory_space<vmem>>
      %dma_start3A_84 = tpu.memref_squeeze %dma_start3A_83 : memref<1x64xi32, #tpu.memory_space<vmem>> -> memref<64xi32, #tpu.memory_space<vmem>>
      %dma_start3A_85 = arith.constant 0 : i32
      %dma_start3A_86 = tpu.memref_slice %arg3[%add3A_81, %dma_start3A_85] : memref<5000x64xi32, #tpu.memory_space<hbm>> -> memref<1x64xi32, #tpu.memory_space<hbm>>
      %dma_start3A_87 = tpu.memref_squeeze %dma_start3A_86 : memref<1x64xi32, #tpu.memory_space<hbm>> -> memref<64xi32, #tpu.memory_space<hbm>>
      %dma_start3A_88 = arith.constant 0 : i32
      %dma_start3A_89 = tpu.memref_slice %arg8[%dma_start3A, %dma_start3A_88] : memref<4x64xi32, #tpu.memory_space<vmem>> -> memref<1x64xi32, #tpu.memory_space<vmem>>
      %dma_start3A_90 = tpu.memref_squeeze %dma_start3A_89 : memref<1x64xi32, #tpu.memory_space<vmem>> -> memref<64xi32, #tpu.memory_space<vmem>>
      %dma_start3A_91 = arith.constant 0 : i32
      %dma_start3A_92 = tpu.memref_slice %arg3[%add3A_81, %dma_start3A_91] : memref<5000x64xi32, #tpu.memory_space<hbm>> -> memref<1x64xi32, #tpu.memory_space<hbm>>
      %dma_start3A_93 = tpu.memref_squeeze %dma_start3A_92 : memref<1x64xi32, #tpu.memory_space<hbm>> -> memref<64xi32, #tpu.memory_space<hbm>>
      tpu.enqueue_dma source(%dma_start3A_93 : memref<64xi32, #tpu.memory_space<hbm>>) target(%dma_start3A_90 : memref<64xi32, #tpu.memory_space<vmem>>) target_semaphore(%arg21 : memref<!tpu.dma_semaphore, #tpu.memory_space<semaphore_mem>>)
      %add3A_94 = arith.constant 3 : i32
      %add3A_95 = arith.addi %mul3A_2, %add3A_94 : i32
      %dma_start3A_96 = arith.constant 3 : i32
      %dma_start3A_97 = arith.constant 0 : i32
      %dma_start3A_98 = tpu.memref_slice %arg7[%dma_start3A_96, %dma_start3A_97] : memref<4x64xi32, #tpu.memory_space<vmem>> -> memref<1x64xi32, #tpu.memory_space<vmem>>
      %dma_start3A_99 = tpu.memref_squeeze %dma_start3A_98 : memref<1x64xi32, #tpu.memory_space<vmem>> -> memref<64xi32, #tpu.memory_space<vmem>>
      %dma_start3A_100 = arith.constant 0 : i32
      %dma_start3A_101 = tpu.memref_slice %arg4[%add3A_95, %dma_start3A_100] : memref<5000x64xi32, #tpu.memory_space<hbm>> -> memref<1x64xi32, #tpu.memory_space<hbm>>
      %dma_start3A_102 = tpu.memref_squeeze %dma_start3A_101 : memref<1x64xi32, #tpu.memory_space<hbm>> -> memref<64xi32, #tpu.memory_space<hbm>>
      %dma_start3A_103 = arith.constant 0 : i32
      %dma_start3A_104 = tpu.memref_slice %arg7[%dma_start3A_96, %dma_start3A_103] : memref<4x64xi32, #tpu.memory_space<vmem>> -> memref<1x64xi32, #tpu.memory_space<vmem>>
      %dma_start3A_105 = tpu.memref_squeeze %dma_start3A_104 : memref<1x64xi32, #tpu.memory_space<vmem>> -> memref<64xi32, #tpu.memory_space<vmem>>
      %dma_start3A_106 = arith.constant 0 : i32
      %dma_start3A_107 = tpu.memref_slice %arg4[%add3A_95, %dma_start3A_106] : memref<5000x64xi32, #tpu.memory_space<hbm>> -> memref<1x64xi32, #tpu.memory_space<hbm>>
      %dma_start3A_108 = tpu.memref_squeeze %dma_start3A_107 : memref<1x64xi32, #tpu.memory_space<hbm>> -> memref<64xi32, #tpu.memory_space<hbm>>
      tpu.enqueue_dma source(%dma_start3A_108 : memref<64xi32, #tpu.memory_space<hbm>>) target(%dma_start3A_105 : memref<64xi32, #tpu.memory_space<vmem>>) target_semaphore(%arg25 : memref<!tpu.dma_semaphore, #tpu.memory_space<semaphore_mem>>)
    } else {
    }
    %gt3A_24 = arith.constant 0 : i32
    %gt3A_25 = arith.cmpi sgt, %min3A, %gt3A_24 : i32
    %convert_element_type3A_26 = arith.extui %gt3A_25 : i1 to i32
    %cond3A_27 = arith.constant 0 : i32
    %cond3A_28 = arith.cmpi ne, %convert_element_type3A_26, %cond3A_27 : i32
    scf.if %cond3A_28 {
      %dma_wait3A = arith.constant 0 : i32
      %dma_wait3A_80 = arith.constant 0 : i32
      %dma_wait3A_81 = arith.constant 0 : i32
      %dma_wait3A_82 = tpu.memref_slice %arg7[%dma_wait3A_80, %dma_wait3A_81] : memref<4x64xi32, #tpu.memory_space<vmem>> -> memref<1x64xi32, #tpu.memory_space<vmem>>
      %dma_wait3A_83 = tpu.memref_squeeze %dma_wait3A_82 : memref<1x64xi32, #tpu.memory_space<vmem>> -> memref<64xi32, #tpu.memory_space<vmem>>
      %dma_wait3A_84 = arith.constant 0 : i32
      %dma_wait3A_85 = tpu.memref_slice %arg4[%dma_wait3A, %dma_wait3A_84] : memref<5000x64xi32, #tpu.memory_space<hbm>> -> memref<1x64xi32, #tpu.memory_space<hbm>>
      %dma_wait3A_86 = tpu.memref_squeeze %dma_wait3A_85 : memref<1x64xi32, #tpu.memory_space<hbm>> -> memref<64xi32, #tpu.memory_space<hbm>>
      %dma_wait3A_87 = arith.constant 0 : i32
      %dma_wait3A_88 = tpu.memref_slice %arg7[%dma_wait3A_80, %dma_wait3A_87] : memref<4x64xi32, #tpu.memory_space<vmem>> -> memref<1x64xi32, #tpu.memory_space<vmem>>
      %dma_wait3A_89 = tpu.memref_squeeze %dma_wait3A_88 : memref<1x64xi32, #tpu.memory_space<vmem>> -> memref<64xi32, #tpu.memory_space<vmem>>
      %dma_wait3A_90 = arith.constant 0 : i32
      %dma_wait3A_91 = tpu.memref_slice %arg4[%dma_wait3A, %dma_wait3A_90] : memref<5000x64xi32, #tpu.memory_space<hbm>> -> memref<1x64xi32, #tpu.memory_space<hbm>>
      %dma_wait3A_92 = tpu.memref_squeeze %dma_wait3A_91 : memref<1x64xi32, #tpu.memory_space<hbm>> -> memref<64xi32, #tpu.memory_space<hbm>>
      tpu.wait_dma2 semaphore(%arg22 : memref<!tpu.dma_semaphore, #tpu.memory_space<semaphore_mem>>) src(%dma_wait3A_92 : memref<64xi32, #tpu.memory_space<hbm>>) dst(%dma_wait3A_89 : memref<64xi32, #tpu.memory_space<vmem>>)
      %dma_start3A = arith.constant 0 : i32
      %dma_start3A_93 = arith.constant 0 : i32
      %dma_start3A_94 = tpu.memref_slice %arg7[%dma_start3A, %dma_start3A_93] : memref<4x64xi32, #tpu.memory_space<vmem>> -> memref<1x64xi32, #tpu.memory_space<vmem>>
      %dma_start3A_95 = tpu.memref_squeeze %dma_start3A_94 : memref<1x64xi32, #tpu.memory_space<vmem>> -> memref<64xi32, #tpu.memory_space<vmem>>
      %dma_start3A_96 = arith.constant 0 : i32
      %dma_start3A_97 = arith.constant 0 : i32
      %dma_start3A_98 = tpu.memref_slice %arg2[%dma_start3A_96, %dma_start3A_97] : memref<10000x128xf32, #tpu.memory_space<hbm>> -> memref<10000x128xf32, #tpu.memory_space<hbm>>
      tpu.enqueue_indirect_dma source(%dma_start3A_98 : memref<10000x128xf32, #tpu.memory_space<hbm>>) target(%arg9 : memref<64x128xf32, #tpu.memory_space<vmem>>) offsets(%dma_start3A_95 : memref<64xi32, #tpu.memory_space<vmem>>) semaphore(%arg14 : memref<!tpu.dma_semaphore, #tpu.memory_space<semaphore_mem>>)
    } else {
    }
    %gt3A_29 = arith.constant 1 : i32
    %gt3A_30 = arith.cmpi sgt, %min3A, %gt3A_29 : i32
    %convert_element_type3A_31 = arith.extui %gt3A_30 : i1 to i32
    %cond3A_32 = arith.constant 0 : i32
    %cond3A_33 = arith.cmpi ne, %convert_element_type3A_31, %cond3A_32 : i32
    scf.if %cond3A_33 {
      %dma_wait3A = arith.constant 0 : i32
      %dma_wait3A_80 = arith.constant 1 : i32
      %dma_wait3A_81 = arith.constant 0 : i32
      %dma_wait3A_82 = tpu.memref_slice %arg7[%dma_wait3A_80, %dma_wait3A_81] : memref<4x64xi32, #tpu.memory_space<vmem>> -> memref<1x64xi32, #tpu.memory_space<vmem>>
      %dma_wait3A_83 = tpu.memref_squeeze %dma_wait3A_82 : memref<1x64xi32, #tpu.memory_space<vmem>> -> memref<64xi32, #tpu.memory_space<vmem>>
      %dma_wait3A_84 = arith.constant 0 : i32
      %dma_wait3A_85 = tpu.memref_slice %arg4[%dma_wait3A, %dma_wait3A_84] : memref<5000x64xi32, #tpu.memory_space<hbm>> -> memref<1x64xi32, #tpu.memory_space<hbm>>
      %dma_wait3A_86 = tpu.memref_squeeze %dma_wait3A_85 : memref<1x64xi32, #tpu.memory_space<hbm>> -> memref<64xi32, #tpu.memory_space<hbm>>
      %dma_wait3A_87 = arith.constant 0 : i32
      %dma_wait3A_88 = tpu.memref_slice %arg7[%dma_wait3A_80, %dma_wait3A_87] : memref<4x64xi32, #tpu.memory_space<vmem>> -> memref<1x64xi32, #tpu.memory_space<vmem>>
      %dma_wait3A_89 = tpu.memref_squeeze %dma_wait3A_88 : memref<1x64xi32, #tpu.memory_space<vmem>> -> memref<64xi32, #tpu.memory_space<vmem>>
      %dma_wait3A_90 = arith.constant 0 : i32
      %dma_wait3A_91 = tpu.memref_slice %arg4[%dma_wait3A, %dma_wait3A_90] : memref<5000x64xi32, #tpu.memory_space<hbm>> -> memref<1x64xi32, #tpu.memory_space<hbm>>
      %dma_wait3A_92 = tpu.memref_squeeze %dma_wait3A_91 : memref<1x64xi32, #tpu.memory_space<hbm>> -> memref<64xi32, #tpu.memory_space<hbm>>
      tpu.wait_dma2 semaphore(%arg23 : memref<!tpu.dma_semaphore, #tpu.memory_space<semaphore_mem>>) src(%dma_wait3A_92 : memref<64xi32, #tpu.memory_space<hbm>>) dst(%dma_wait3A_89 : memref<64xi32, #tpu.memory_space<vmem>>)
      %dma_start3A = arith.constant 1 : i32
      %dma_start3A_93 = arith.constant 0 : i32
      %dma_start3A_94 = tpu.memref_slice %arg7[%dma_start3A, %dma_start3A_93] : memref<4x64xi32, #tpu.memory_space<vmem>> -> memref<1x64xi32, #tpu.memory_space<vmem>>
      %dma_start3A_95 = tpu.memref_squeeze %dma_start3A_94 : memref<1x64xi32, #tpu.memory_space<vmem>> -> memref<64xi32, #tpu.memory_space<vmem>>
      %dma_start3A_96 = arith.constant 0 : i32
      %dma_start3A_97 = arith.constant 0 : i32
      %dma_start3A_98 = tpu.memref_slice %arg2[%dma_start3A_96, %dma_start3A_97] : memref<10000x128xf32, #tpu.memory_space<hbm>> -> memref<10000x128xf32, #tpu.memory_space<hbm>>
      tpu.enqueue_indirect_dma source(%dma_start3A_98 : memref<10000x128xf32, #tpu.memory_space<hbm>>) target(%arg10 : memref<64x128xf32, #tpu.memory_space<vmem>>) offsets(%dma_start3A_95 : memref<64xi32, #tpu.memory_space<vmem>>) semaphore(%arg15 : memref<!tpu.dma_semaphore, #tpu.memory_space<semaphore_mem>>)
    } else {
    }
    %gt3A_34 = arith.constant 2 : i32
    %gt3A_35 = arith.cmpi sgt, %min3A, %gt3A_34 : i32
    %convert_element_type3A_36 = arith.extui %gt3A_35 : i1 to i32
    %cond3A_37 = arith.constant 0 : i32
    %cond3A_38 = arith.cmpi ne, %convert_element_type3A_36, %cond3A_37 : i32
    scf.if %cond3A_38 {
      %dma_wait3A = arith.constant 0 : i32
      %dma_wait3A_80 = arith.constant 2 : i32
      %dma_wait3A_81 = arith.constant 0 : i32
      %dma_wait3A_82 = tpu.memref_slice %arg7[%dma_wait3A_80, %dma_wait3A_81] : memref<4x64xi32, #tpu.memory_space<vmem>> -> memref<1x64xi32, #tpu.memory_space<vmem>>
      %dma_wait3A_83 = tpu.memref_squeeze %dma_wait3A_82 : memref<1x64xi32, #tpu.memory_space<vmem>> -> memref<64xi32, #tpu.memory_space<vmem>>
      %dma_wait3A_84 = arith.constant 0 : i32
      %dma_wait3A_85 = tpu.memref_slice %arg4[%dma_wait3A, %dma_wait3A_84] : memref<5000x64xi32, #tpu.memory_space<hbm>> -> memref<1x64xi32, #tpu.memory_space<hbm>>
      %dma_wait3A_86 = tpu.memref_squeeze %dma_wait3A_85 : memref<1x64xi32, #tpu.memory_space<hbm>> -> memref<64xi32, #tpu.memory_space<hbm>>
      %dma_wait3A_87 = arith.constant 0 : i32
      %dma_wait3A_88 = tpu.memref_slice %arg7[%dma_wait3A_80, %dma_wait3A_87] : memref<4x64xi32, #tpu.memory_space<vmem>> -> memref<1x64xi32, #tpu.memory_space<vmem>>
      %dma_wait3A_89 = tpu.memref_squeeze %dma_wait3A_88 : memref<1x64xi32, #tpu.memory_space<vmem>> -> memref<64xi32, #tpu.memory_space<vmem>>
      %dma_wait3A_90 = arith.constant 0 : i32
      %dma_wait3A_91 = tpu.memref_slice %arg4[%dma_wait3A, %dma_wait3A_90] : memref<5000x64xi32, #tpu.memory_space<hbm>> -> memref<1x64xi32, #tpu.memory_space<hbm>>
      %dma_wait3A_92 = tpu.memref_squeeze %dma_wait3A_91 : memref<1x64xi32, #tpu.memory_space<hbm>> -> memref<64xi32, #tpu.memory_space<hbm>>
      tpu.wait_dma2 semaphore(%arg24 : memref<!tpu.dma_semaphore, #tpu.memory_space<semaphore_mem>>) src(%dma_wait3A_92 : memref<64xi32, #tpu.memory_space<hbm>>) dst(%dma_wait3A_89 : memref<64xi32, #tpu.memory_space<vmem>>)
      %dma_start3A = arith.constant 2 : i32
      %dma_start3A_93 = arith.constant 0 : i32
      %dma_start3A_94 = tpu.memref_slice %arg7[%dma_start3A, %dma_start3A_93] : memref<4x64xi32, #tpu.memory_space<vmem>> -> memref<1x64xi32, #tpu.memory_space<vmem>>
      %dma_start3A_95 = tpu.memref_squeeze %dma_start3A_94 : memref<1x64xi32, #tpu.memory_space<vmem>> -> memref<64xi32, #tpu.memory_space<vmem>>
      %dma_start3A_96 = arith.constant 0 : i32
      %dma_start3A_97 = arith.constant 0 : i32
      %dma_start3A_98 = tpu.memref_slice %arg2[%dma_start3A_96, %dma_start3A_97] : memref<10000x128xf32, #tpu.memory_space<hbm>> -> memref<10000x128xf32, #tpu.memory_space<hbm>>
      tpu.enqueue_indirect_dma source(%dma_start3A_98 : memref<10000x128xf32, #tpu.memory_space<hbm>>) target(%arg11 : memref<64x128xf32, #tpu.memory_space<vmem>>) offsets(%dma_start3A_95 : memref<64xi32, #tpu.memory_space<vmem>>) semaphore(%arg16 : memref<!tpu.dma_semaphore, #tpu.memory_space<semaphore_mem>>)
    } else {
    }
    %gt3A_39 = arith.constant 3 : i32
    %gt3A_40 = arith.cmpi sgt, %min3A, %gt3A_39 : i32
    %convert_element_type3A_41 = arith.extui %gt3A_40 : i1 to i32
    %cond3A_42 = arith.constant 0 : i32
    %cond3A_43 = arith.cmpi ne, %convert_element_type3A_41, %cond3A_42 : i32
    scf.if %cond3A_43 {
      %dma_wait3A = arith.constant 0 : i32
      %dma_wait3A_80 = arith.constant 3 : i32
      %dma_wait3A_81 = arith.constant 0 : i32
      %dma_wait3A_82 = tpu.memref_slice %arg7[%dma_wait3A_80, %dma_wait3A_81] : memref<4x64xi32, #tpu.memory_space<vmem>> -> memref<1x64xi32, #tpu.memory_space<vmem>>
      %dma_wait3A_83 = tpu.memref_squeeze %dma_wait3A_82 : memref<1x64xi32, #tpu.memory_space<vmem>> -> memref<64xi32, #tpu.memory_space<vmem>>
      %dma_wait3A_84 = arith.constant 0 : i32
      %dma_wait3A_85 = tpu.memref_slice %arg4[%dma_wait3A, %dma_wait3A_84] : memref<5000x64xi32, #tpu.memory_space<hbm>> -> memref<1x64xi32, #tpu.memory_space<hbm>>
      %dma_wait3A_86 = tpu.memref_squeeze %dma_wait3A_85 : memref<1x64xi32, #tpu.memory_space<hbm>> -> memref<64xi32, #tpu.memory_space<hbm>>
      %dma_wait3A_87 = arith.constant 0 : i32
      %dma_wait3A_88 = tpu.memref_slice %arg7[%dma_wait3A_80, %dma_wait3A_87] : memref<4x64xi32, #tpu.memory_space<vmem>> -> memref<1x64xi32, #tpu.memory_space<vmem>>
      %dma_wait3A_89 = tpu.memref_squeeze %dma_wait3A_88 : memref<1x64xi32, #tpu.memory_space<vmem>> -> memref<64xi32, #tpu.memory_space<vmem>>
      %dma_wait3A_90 = arith.constant 0 : i32
      %dma_wait3A_91 = tpu.memref_slice %arg4[%dma_wait3A, %dma_wait3A_90] : memref<5000x64xi32, #tpu.memory_space<hbm>> -> memref<1x64xi32, #tpu.memory_space<hbm>>
      %dma_wait3A_92 = tpu.memref_squeeze %dma_wait3A_91 : memref<1x64xi32, #tpu.memory_space<hbm>> -> memref<64xi32, #tpu.memory_space<hbm>>
      tpu.wait_dma2 semaphore(%arg25 : memref<!tpu.dma_semaphore, #tpu.memory_space<semaphore_mem>>) src(%dma_wait3A_92 : memref<64xi32, #tpu.memory_space<hbm>>) dst(%dma_wait3A_89 : memref<64xi32, #tpu.memory_space<vmem>>)
      %dma_start3A = arith.constant 3 : i32
      %dma_start3A_93 = arith.constant 0 : i32
      %dma_start3A_94 = tpu.memref_slice %arg7[%dma_start3A, %dma_start3A_93] : memref<4x64xi32, #tpu.memory_space<vmem>> -> memref<1x64xi32, #tpu.memory_space<vmem>>
      %dma_start3A_95 = tpu.memref_squeeze %dma_start3A_94 : memref<1x64xi32, #tpu.memory_space<vmem>> -> memref<64xi32, #tpu.memory_space<vmem>>
      %dma_start3A_96 = arith.constant 0 : i32
      %dma_start3A_97 = arith.constant 0 : i32
      %dma_start3A_98 = tpu.memref_slice %arg2[%dma_start3A_96, %dma_start3A_97] : memref<10000x128xf32, #tpu.memory_space<hbm>> -> memref<10000x128xf32, #tpu.memory_space<hbm>>
      tpu.enqueue_indirect_dma source(%dma_start3A_98 : memref<10000x128xf32, #tpu.memory_space<hbm>>) target(%arg12 : memref<64x128xf32, #tpu.memory_space<vmem>>) offsets(%dma_start3A_95 : memref<64xi32, #tpu.memory_space<vmem>>) semaphore(%arg17 : memref<!tpu.dma_semaphore, #tpu.memory_space<semaphore_mem>>)
    } else {
    }
    %add3A_44 = arith.constant 4 : i32
    %add3A_45 = arith.addi %min3A, %add3A_44 : i32
    %sub3A_46 = arith.constant 1 : i32
    %sub3A_47 = arith.subi %add3A_45, %sub3A_46 : i32
    %jit3A_48 = arith.constant 4 : i32
    %div3A = arith.divsi %sub3A_47, %jit3A_48 : i32
    %sign3A = arith.constant 0 : i32
    %sign3A_49 = arith.cmpi sgt, %sub3A_47, %sign3A : i32
    %sign3A_50 = arith.extui %sign3A_49 : i1 to i32
    %sign3A_51 = arith.constant 0 : i32
    %sign3A_52 = arith.cmpi slt, %sub3A_47, %sign3A_51 : i32
    %sign3A_53 = arith.extui %sign3A_52 : i1 to i32
    %sign3A_54 = arith.subi %sign3A_50, %sign3A_53 : i32
    %sign3A_55 = arith.constant 0 : i32
    %sign3A_56 = arith.cmpi sgt, %jit3A_48, %sign3A_55 : i32
    %sign3A_57 = arith.extui %sign3A_56 : i1 to i32
    %sign3A_58 = arith.constant 0 : i32
    %sign3A_59 = arith.cmpi slt, %jit3A_48, %sign3A_58 : i32
    %sign3A_60 = arith.extui %sign3A_59 : i1 to i32
    %sign3A_61 = arith.subi %sign3A_57, %sign3A_60 : i32
    %ne3A = arith.cmpi ne, %sign3A_54, %sign3A_61 : i32
    %rem3A = arith.remsi %sub3A_47, %jit3A_48 : i32
    %ne3A_62 = arith.constant 0 : i32
    %ne3A_63 = arith.cmpi ne, %rem3A, %ne3A_62 : i32
    %and3A = arith.andi %ne3A, %ne3A_63 : i1
    %sub3A_64 = arith.constant 1 : i32
    %sub3A_65 = arith.subi %div3A, %sub3A_64 : i32
    %select_n3A = arith.select %and3A, %sub3A_65, %div3A : i32
    %while3A = arith.constant 0 : i32
    %while3A_66 = arith.constant 0 : i32
    %while3A_67 = arith.subi %select_n3A, %while3A_66 : i32
    %while3A_68 = arith.addi %while3A_66, %while3A_67 : i32
    %while3A_69 = arith.constant 1 : i32
    %while3A_70 = arith.divsi %while3A_67, %while3A_69 : i32
    %while3A_71 = arith.muli %while3A_70, %while3A_69 : i32
    %while3A_72 = arith.addi %while3A_66, %while3A_71 : i32
    %while3A_73 = arith.constant 1 : i32
    scf.for %while3A_80 = %while3A_66 to %while3A_72 step %while3A_73  : i32 {
      %mul3A_81 = arith.constant 4 : i32
      %mul3A_82 = arith.muli %while3A_80, %mul3A_81 : i32
      %add3A_83 = arith.constant 0 : i32
      %add3A_84 = arith.addi %mul3A_82, %add3A_83 : i32
      %lt3A = arith.cmpi slt, %add3A_84, %min3A : i32
      %convert_element_type3A_85 = arith.extui %lt3A : i1 to i32
      %cond3A_86 = arith.constant 0 : i32
      %cond3A_87 = arith.cmpi ne, %convert_element_type3A_85, %cond3A_86 : i32
      scf.if %cond3A_87 {
        %dma_wait3A = arith.constant 0 : i32
        %dma_wait3A_112 = arith.constant 0 : i32
        %dma_wait3A_113 = tpu.memref_slice %arg2[%dma_wait3A, %dma_wait3A_112] : memref<10000x128xf32, #tpu.memory_space<hbm>> -> memref<64x128xf32, #tpu.memory_space<hbm>>
        %dma_wait3A_114 = arith.constant 0 : i32
        %dma_wait3A_115 = arith.constant 0 : i32
        %dma_wait3A_116 = tpu.memref_slice %arg2[%dma_wait3A_114, %dma_wait3A_115] : memref<10000x128xf32, #tpu.memory_space<hbm>> -> memref<64x128xf32, #tpu.memory_space<hbm>>
        tpu.wait_dma2 semaphore(%arg14 : memref<!tpu.dma_semaphore, #tpu.memory_space<semaphore_mem>>) src(%dma_wait3A_116 : memref<64x128xf32, #tpu.memory_space<hbm>>) dst(%arg9 : memref<64x128xf32, #tpu.memory_space<vmem>>)
        %add3A_117 = arith.constant 4 : i32
        %add3A_118 = arith.addi %add3A_84, %add3A_117 : i32
        %lt3A_119 = arith.cmpi slt, %add3A_118, %min3A : i32
        %convert_element_type3A_120 = arith.extui %lt3A_119 : i1 to i32
        %cond3A_121 = arith.constant 0 : i32
        %cond3A_122 = arith.cmpi ne, %convert_element_type3A_120, %cond3A_121 : i32
        scf.if %cond3A_122 {
          %add3A_143 = arith.addi %mul3A_2, %add3A_84 : i32
          %add3A_144 = arith.constant 4 : i32
          %add3A_145 = arith.addi %add3A_143, %add3A_144 : i32
          %dma_start3A = arith.constant 0 : i32
          %dma_start3A_146 = arith.constant 0 : i32
          %dma_start3A_147 = tpu.memref_slice %arg7[%dma_start3A, %dma_start3A_146] : memref<4x64xi32, #tpu.memory_space<vmem>> -> memref<1x64xi32, #tpu.memory_space<vmem>>
          %dma_start3A_148 = tpu.memref_squeeze %dma_start3A_147 : memref<1x64xi32, #tpu.memory_space<vmem>> -> memref<64xi32, #tpu.memory_space<vmem>>
          %dma_start3A_149 = arith.constant 0 : i32
          %dma_start3A_150 = tpu.memref_slice %arg4[%add3A_145, %dma_start3A_149] : memref<5000x64xi32, #tpu.memory_space<hbm>> -> memref<1x64xi32, #tpu.memory_space<hbm>>
          %dma_start3A_151 = tpu.memref_squeeze %dma_start3A_150 : memref<1x64xi32, #tpu.memory_space<hbm>> -> memref<64xi32, #tpu.memory_space<hbm>>
          %dma_start3A_152 = arith.constant 0 : i32
          %dma_start3A_153 = tpu.memref_slice %arg7[%dma_start3A, %dma_start3A_152] : memref<4x64xi32, #tpu.memory_space<vmem>> -> memref<1x64xi32, #tpu.memory_space<vmem>>
          %dma_start3A_154 = tpu.memref_squeeze %dma_start3A_153 : memref<1x64xi32, #tpu.memory_space<vmem>> -> memref<64xi32, #tpu.memory_space<vmem>>
          %dma_start3A_155 = arith.constant 0 : i32
          %dma_start3A_156 = tpu.memref_slice %arg4[%add3A_145, %dma_start3A_155] : memref<5000x64xi32, #tpu.memory_space<hbm>> -> memref<1x64xi32, #tpu.memory_space<hbm>>
          %dma_start3A_157 = tpu.memref_squeeze %dma_start3A_156 : memref<1x64xi32, #tpu.memory_space<hbm>> -> memref<64xi32, #tpu.memory_space<hbm>>
          tpu.enqueue_dma source(%dma_start3A_157 : memref<64xi32, #tpu.memory_space<hbm>>) target(%dma_start3A_154 : memref<64xi32, #tpu.memory_space<vmem>>) target_semaphore(%arg22 : memref<!tpu.dma_semaphore, #tpu.memory_space<semaphore_mem>>)
        } else {
        }
        %dma_wait3A_123 = arith.constant 0 : i32
        %dma_wait3A_124 = arith.constant 0 : i32
        %dma_wait3A_125 = arith.constant 0 : i32
        %dma_wait3A_126 = tpu.memref_slice %arg8[%dma_wait3A_124, %dma_wait3A_125] : memref<4x64xi32, #tpu.memory_space<vmem>> -> memref<1x64xi32, #tpu.memory_space<vmem>>
        %dma_wait3A_127 = tpu.memref_squeeze %dma_wait3A_126 : memref<1x64xi32, #tpu.memory_space<vmem>> -> memref<64xi32, #tpu.memory_space<vmem>>
        %dma_wait3A_128 = arith.constant 0 : i32
        %dma_wait3A_129 = tpu.memref_slice %arg3[%dma_wait3A_123, %dma_wait3A_128] : memref<5000x64xi32, #tpu.memory_space<hbm>> -> memref<1x64xi32, #tpu.memory_space<hbm>>
        %dma_wait3A_130 = tpu.memref_squeeze %dma_wait3A_129 : memref<1x64xi32, #tpu.memory_space<hbm>> -> memref<64xi32, #tpu.memory_space<hbm>>
        %dma_wait3A_131 = arith.constant 0 : i32
        %dma_wait3A_132 = tpu.memref_slice %arg8[%dma_wait3A_124, %dma_wait3A_131] : memref<4x64xi32, #tpu.memory_space<vmem>> -> memref<1x64xi32, #tpu.memory_space<vmem>>
        %dma_wait3A_133 = tpu.memref_squeeze %dma_wait3A_132 : memref<1x64xi32, #tpu.memory_space<vmem>> -> memref<64xi32, #tpu.memory_space<vmem>>
        %dma_wait3A_134 = arith.constant 0 : i32
        %dma_wait3A_135 = tpu.memref_slice %arg3[%dma_wait3A_123, %dma_wait3A_134] : memref<5000x64xi32, #tpu.memory_space<hbm>> -> memref<1x64xi32, #tpu.memory_space<hbm>>
        %dma_wait3A_136 = tpu.memref_squeeze %dma_wait3A_135 : memref<1x64xi32, #tpu.memory_space<hbm>> -> memref<64xi32, #tpu.memory_space<hbm>>
        tpu.wait_dma2 semaphore(%arg18 : memref<!tpu.dma_semaphore, #tpu.memory_space<semaphore_mem>>) src(%dma_wait3A_136 : memref<64xi32, #tpu.memory_space<hbm>>) dst(%dma_wait3A_133 : memref<64xi32, #tpu.memory_space<vmem>>)
        %run_scoped3A = arith.constant 0 : i32
        "tpu.region"() ({
          %run_scoped3A_143 = tpu.sem_alloc : memref<!tpu.dma_semaphore, #tpu.memory_space<semaphore_mem>>
          %dma_start3A = arith.constant 0 : i32
          %dma_start3A_144 = tpu.memref_slice %arg8[%run_scoped3A, %dma_start3A] : memref<4x64xi32, #tpu.memory_space<vmem>> -> memref<1x64xi32, #tpu.memory_space<vmem>>
          %dma_start3A_145 = tpu.memref_squeeze %dma_start3A_144 : memref<1x64xi32, #tpu.memory_space<vmem>> -> memref<64xi32, #tpu.memory_space<vmem>>
          %dma_start3A_146 = arith.constant 0 : i32
          %dma_start3A_147 = arith.constant 0 : i32
          %dma_start3A_148 = tpu.memref_slice %arg13[%dma_start3A_146, %dma_start3A_147] : memref<10112x128xf32, #tpu.memory_space<vmem_shared>> -> memref<10112x128xf32, #tpu.memory_space<vmem_shared>>
          tpu.enqueue_indirect_dma source(%arg9 : memref<64x128xf32, #tpu.memory_space<vmem>>) target(%dma_start3A_148 : memref<10112x128xf32, #tpu.memory_space<vmem_shared>>) offsets(%dma_start3A_145 : memref<64xi32, #tpu.memory_space<vmem>>) semaphore(%run_scoped3A_143 : memref<!tpu.dma_semaphore, #tpu.memory_space<semaphore_mem>>) {add = true}
          %dma_wait3A_149 = arith.constant 0 : i32
          %dma_wait3A_150 = tpu.memref_slice %arg8[%run_scoped3A, %dma_wait3A_149] : memref<4x64xi32, #tpu.memory_space<vmem>> -> memref<1x64xi32, #tpu.memory_space<vmem>>
          %dma_wait3A_151 = tpu.memref_squeeze %dma_wait3A_150 : memref<1x64xi32, #tpu.memory_space<vmem>> -> memref<64xi32, #tpu.memory_space<vmem>>
          %dma_wait3A_152 = arith.constant 0 : i32
          %dma_wait3A_153 = arith.constant 0 : i32
          %dma_wait3A_154 = tpu.memref_slice %arg13[%dma_wait3A_152, %dma_wait3A_153] : memref<10112x128xf32, #tpu.memory_space<vmem_shared>> -> memref<10112x128xf32, #tpu.memory_space<vmem_shared>>
          tpu.wait_indirect_dma semaphore(%run_scoped3A_143 : memref<!tpu.dma_semaphore, #tpu.memory_space<semaphore_mem>>) src(%arg9 : memref<64x128xf32, #tpu.memory_space<vmem>>) dst(%dma_wait3A_154 : memref<10112x128xf32, #tpu.memory_space<vmem_shared>>)
          tpu.yield
        }) : () -> ()
        %add3A_137 = arith.constant 4 : i32
        %add3A_138 = arith.addi %add3A_84, %add3A_137 : i32
        %lt3A_139 = arith.cmpi slt, %add3A_138, %min3A : i32
        %convert_element_type3A_140 = arith.extui %lt3A_139 : i1 to i32
        %cond3A_141 = arith.constant 0 : i32
        %cond3A_142 = arith.cmpi ne, %convert_element_type3A_140, %cond3A_141 : i32
        scf.if %cond3A_142 {
          %add3A_143 = arith.addi %mul3A_2, %add3A_84 : i32
          %add3A_144 = arith.constant 4 : i32
          %add3A_145 = arith.addi %add3A_143, %add3A_144 : i32
          %dma_start3A = arith.constant 0 : i32
          %dma_start3A_146 = arith.constant 0 : i32
          %dma_start3A_147 = tpu.memref_slice %arg8[%dma_start3A, %dma_start3A_146] : memref<4x64xi32, #tpu.memory_space<vmem>> -> memref<1x64xi32, #tpu.memory_space<vmem>>
          %dma_start3A_148 = tpu.memref_squeeze %dma_start3A_147 : memref<1x64xi32, #tpu.memory_space<vmem>> -> memref<64xi32, #tpu.memory_space<vmem>>
          %dma_start3A_149 = arith.constant 0 : i32
          %dma_start3A_150 = tpu.memref_slice %arg3[%add3A_145, %dma_start3A_149] : memref<5000x64xi32, #tpu.memory_space<hbm>> -> memref<1x64xi32, #tpu.memory_space<hbm>>
          %dma_start3A_151 = tpu.memref_squeeze %dma_start3A_150 : memref<1x64xi32, #tpu.memory_space<hbm>> -> memref<64xi32, #tpu.memory_space<hbm>>
          %dma_start3A_152 = arith.constant 0 : i32
          %dma_start3A_153 = tpu.memref_slice %arg8[%dma_start3A, %dma_start3A_152] : memref<4x64xi32, #tpu.memory_space<vmem>> -> memref<1x64xi32, #tpu.memory_space<vmem>>
          %dma_start3A_154 = tpu.memref_squeeze %dma_start3A_153 : memref<1x64xi32, #tpu.memory_space<vmem>> -> memref<64xi32, #tpu.memory_space<vmem>>
          %dma_start3A_155 = arith.constant 0 : i32
          %dma_start3A_156 = tpu.memref_slice %arg3[%add3A_145, %dma_start3A_155] : memref<5000x64xi32, #tpu.memory_space<hbm>> -> memref<1x64xi32, #tpu.memory_space<hbm>>
          %dma_start3A_157 = tpu.memref_squeeze %dma_start3A_156 : memref<1x64xi32, #tpu.memory_space<hbm>> -> memref<64xi32, #tpu.memory_space<hbm>>
          tpu.enqueue_dma source(%dma_start3A_157 : memref<64xi32, #tpu.memory_space<hbm>>) target(%dma_start3A_154 : memref<64xi32, #tpu.memory_space<vmem>>) target_semaphore(%arg18 : memref<!tpu.dma_semaphore, #tpu.memory_space<semaphore_mem>>)
          %dma_wait3A_158 = arith.constant 0 : i32
          %dma_wait3A_159 = arith.constant 0 : i32
          %dma_wait3A_160 = arith.constant 0 : i32
          %dma_wait3A_161 = tpu.memref_slice %arg7[%dma_wait3A_159, %dma_wait3A_160] : memref<4x64xi32, #tpu.memory_space<vmem>> -> memref<1x64xi32, #tpu.memory_space<vmem>>
          %dma_wait3A_162 = tpu.memref_squeeze %dma_wait3A_161 : memref<1x64xi32, #tpu.memory_space<vmem>> -> memref<64xi32, #tpu.memory_space<vmem>>
          %dma_wait3A_163 = arith.constant 0 : i32
          %dma_wait3A_164 = tpu.memref_slice %arg4[%dma_wait3A_158, %dma_wait3A_163] : memref<5000x64xi32, #tpu.memory_space<hbm>> -> memref<1x64xi32, #tpu.memory_space<hbm>>
          %dma_wait3A_165 = tpu.memref_squeeze %dma_wait3A_164 : memref<1x64xi32, #tpu.memory_space<hbm>> -> memref<64xi32, #tpu.memory_space<hbm>>
          %dma_wait3A_166 = arith.constant 0 : i32
          %dma_wait3A_167 = tpu.memref_slice %arg7[%dma_wait3A_159, %dma_wait3A_166] : memref<4x64xi32, #tpu.memory_space<vmem>> -> memref<1x64xi32, #tpu.memory_space<vmem>>
          %dma_wait3A_168 = tpu.memref_squeeze %dma_wait3A_167 : memref<1x64xi32, #tpu.memory_space<vmem>> -> memref<64xi32, #tpu.memory_space<vmem>>
          %dma_wait3A_169 = arith.constant 0 : i32
          %dma_wait3A_170 = tpu.memref_slice %arg4[%dma_wait3A_158, %dma_wait3A_169] : memref<5000x64xi32, #tpu.memory_space<hbm>> -> memref<1x64xi32, #tpu.memory_space<hbm>>
          %dma_wait3A_171 = tpu.memref_squeeze %dma_wait3A_170 : memref<1x64xi32, #tpu.memory_space<hbm>> -> memref<64xi32, #tpu.memory_space<hbm>>
          tpu.wait_dma2 semaphore(%arg22 : memref<!tpu.dma_semaphore, #tpu.memory_space<semaphore_mem>>) src(%dma_wait3A_171 : memref<64xi32, #tpu.memory_space<hbm>>) dst(%dma_wait3A_168 : memref<64xi32, #tpu.memory_space<vmem>>)
          %dma_start3A_172 = arith.constant 0 : i32
          %dma_start3A_173 = arith.constant 0 : i32
          %dma_start3A_174 = tpu.memref_slice %arg7[%dma_start3A_172, %dma_start3A_173] : memref<4x64xi32, #tpu.memory_space<vmem>> -> memref<1x64xi32, #tpu.memory_space<vmem>>
          %dma_start3A_175 = tpu.memref_squeeze %dma_start3A_174 : memref<1x64xi32, #tpu.memory_space<vmem>> -> memref<64xi32, #tpu.memory_space<vmem>>
          %dma_start3A_176 = arith.constant 0 : i32
          %dma_start3A_177 = arith.constant 0 : i32
          %dma_start3A_178 = tpu.memref_slice %arg2[%dma_start3A_176, %dma_start3A_177] : memref<10000x128xf32, #tpu.memory_space<hbm>> -> memref<10000x128xf32, #tpu.memory_space<hbm>>
          tpu.enqueue_indirect_dma source(%dma_start3A_178 : memref<10000x128xf32, #tpu.memory_space<hbm>>) target(%arg9 : memref<64x128xf32, #tpu.memory_space<vmem>>) offsets(%dma_start3A_175 : memref<64xi32, #tpu.memory_space<vmem>>) semaphore(%arg14 : memref<!tpu.dma_semaphore, #tpu.memory_space<semaphore_mem>>)
        } else {
        }
      } else {
      }
      %mul3A_88 = arith.constant 4 : i32
      %mul3A_89 = arith.muli %while3A_80, %mul3A_88 : i32
      %add3A_90 = arith.constant 1 : i32
      %add3A_91 = arith.addi %mul3A_89, %add3A_90 : i32
      %lt3A_92 = arith.cmpi slt, %add3A_91, %min3A : i32
      %convert_element_type3A_93 = arith.extui %lt3A_92 : i1 to i32
      %cond3A_94 = arith.constant 0 : i32
      %cond3A_95 = arith.cmpi ne, %convert_element_type3A_93, %cond3A_94 : i32
      scf.if %cond3A_95 {
        %dma_wait3A = arith.constant 0 : i32
        %dma_wait3A_112 = arith.constant 0 : i32
        %dma_wait3A_113 = tpu.memref_slice %arg2[%dma_wait3A, %dma_wait3A_112] : memref<10000x128xf32, #tpu.memory_space<hbm>> -> memref<64x128xf32, #tpu.memory_space<hbm>>
        %dma_wait3A_114 = arith.constant 0 : i32
        %dma_wait3A_115 = arith.constant 0 : i32
        %dma_wait3A_116 = tpu.memref_slice %arg2[%dma_wait3A_114, %dma_wait3A_115] : memref<10000x128xf32, #tpu.memory_space<hbm>> -> memref<64x128xf32, #tpu.memory_space<hbm>>
        tpu.wait_dma2 semaphore(%arg15 : memref<!tpu.dma_semaphore, #tpu.memory_space<semaphore_mem>>) src(%dma_wait3A_116 : memref<64x128xf32, #tpu.memory_space<hbm>>) dst(%arg10 : memref<64x128xf32, #tpu.memory_space<vmem>>)
        %add3A_117 = arith.constant 4 : i32
        %add3A_118 = arith.addi %add3A_91, %add3A_117 : i32
        %lt3A_119 = arith.cmpi slt, %add3A_118, %min3A : i32
        %convert_element_type3A_120 = arith.extui %lt3A_119 : i1 to i32
        %cond3A_121 = arith.constant 0 : i32
        %cond3A_122 = arith.cmpi ne, %convert_element_type3A_120, %cond3A_121 : i32
        scf.if %cond3A_122 {
          %add3A_143 = arith.addi %mul3A_2, %add3A_91 : i32
          %add3A_144 = arith.constant 4 : i32
          %add3A_145 = arith.addi %add3A_143, %add3A_144 : i32
          %dma_start3A = arith.constant 1 : i32
          %dma_start3A_146 = arith.constant 0 : i32
          %dma_start3A_147 = tpu.memref_slice %arg7[%dma_start3A, %dma_start3A_146] : memref<4x64xi32, #tpu.memory_space<vmem>> -> memref<1x64xi32, #tpu.memory_space<vmem>>
          %dma_start3A_148 = tpu.memref_squeeze %dma_start3A_147 : memref<1x64xi32, #tpu.memory_space<vmem>> -> memref<64xi32, #tpu.memory_space<vmem>>
          %dma_start3A_149 = arith.constant 0 : i32
          %dma_start3A_150 = tpu.memref_slice %arg4[%add3A_145, %dma_start3A_149] : memref<5000x64xi32, #tpu.memory_space<hbm>> -> memref<1x64xi32, #tpu.memory_space<hbm>>
          %dma_start3A_151 = tpu.memref_squeeze %dma_start3A_150 : memref<1x64xi32, #tpu.memory_space<hbm>> -> memref<64xi32, #tpu.memory_space<hbm>>
          %dma_start3A_152 = arith.constant 0 : i32
          %dma_start3A_153 = tpu.memref_slice %arg7[%dma_start3A, %dma_start3A_152] : memref<4x64xi32, #tpu.memory_space<vmem>> -> memref<1x64xi32, #tpu.memory_space<vmem>>
          %dma_start3A_154 = tpu.memref_squeeze %dma_start3A_153 : memref<1x64xi32, #tpu.memory_space<vmem>> -> memref<64xi32, #tpu.memory_space<vmem>>
          %dma_start3A_155 = arith.constant 0 : i32
          %dma_start3A_156 = tpu.memref_slice %arg4[%add3A_145, %dma_start3A_155] : memref<5000x64xi32, #tpu.memory_space<hbm>> -> memref<1x64xi32, #tpu.memory_space<hbm>>
          %dma_start3A_157 = tpu.memref_squeeze %dma_start3A_156 : memref<1x64xi32, #tpu.memory_space<hbm>> -> memref<64xi32, #tpu.memory_space<hbm>>
          tpu.enqueue_dma source(%dma_start3A_157 : memref<64xi32, #tpu.memory_space<hbm>>) target(%dma_start3A_154 : memref<64xi32, #tpu.memory_space<vmem>>) target_semaphore(%arg23 : memref<!tpu.dma_semaphore, #tpu.memory_space<semaphore_mem>>)
        } else {
        }
        %dma_wait3A_123 = arith.constant 0 : i32
        %dma_wait3A_124 = arith.constant 1 : i32
        %dma_wait3A_125 = arith.constant 0 : i32
        %dma_wait3A_126 = tpu.memref_slice %arg8[%dma_wait3A_124, %dma_wait3A_125] : memref<4x64xi32, #tpu.memory_space<vmem>> -> memref<1x64xi32, #tpu.memory_space<vmem>>
        %dma_wait3A_127 = tpu.memref_squeeze %dma_wait3A_126 : memref<1x64xi32, #tpu.memory_space<vmem>> -> memref<64xi32, #tpu.memory_space<vmem>>
        %dma_wait3A_128 = arith.constant 0 : i32
        %dma_wait3A_129 = tpu.memref_slice %arg3[%dma_wait3A_123, %dma_wait3A_128] : memref<5000x64xi32, #tpu.memory_space<hbm>> -> memref<1x64xi32, #tpu.memory_space<hbm>>
        %dma_wait3A_130 = tpu.memref_squeeze %dma_wait3A_129 : memref<1x64xi32, #tpu.memory_space<hbm>> -> memref<64xi32, #tpu.memory_space<hbm>>
        %dma_wait3A_131 = arith.constant 0 : i32
        %dma_wait3A_132 = tpu.memref_slice %arg8[%dma_wait3A_124, %dma_wait3A_131] : memref<4x64xi32, #tpu.memory_space<vmem>> -> memref<1x64xi32, #tpu.memory_space<vmem>>
        %dma_wait3A_133 = tpu.memref_squeeze %dma_wait3A_132 : memref<1x64xi32, #tpu.memory_space<vmem>> -> memref<64xi32, #tpu.memory_space<vmem>>
        %dma_wait3A_134 = arith.constant 0 : i32
        %dma_wait3A_135 = tpu.memref_slice %arg3[%dma_wait3A_123, %dma_wait3A_134] : memref<5000x64xi32, #tpu.memory_space<hbm>> -> memref<1x64xi32, #tpu.memory_space<hbm>>
        %dma_wait3A_136 = tpu.memref_squeeze %dma_wait3A_135 : memref<1x64xi32, #tpu.memory_space<hbm>> -> memref<64xi32, #tpu.memory_space<hbm>>
        tpu.wait_dma2 semaphore(%arg19 : memref<!tpu.dma_semaphore, #tpu.memory_space<semaphore_mem>>) src(%dma_wait3A_136 : memref<64xi32, #tpu.memory_space<hbm>>) dst(%dma_wait3A_133 : memref<64xi32, #tpu.memory_space<vmem>>)
        %run_scoped3A = arith.constant 1 : i32
        "tpu.region"() ({
          %run_scoped3A_143 = tpu.sem_alloc : memref<!tpu.dma_semaphore, #tpu.memory_space<semaphore_mem>>
          %dma_start3A = arith.constant 0 : i32
          %dma_start3A_144 = tpu.memref_slice %arg8[%run_scoped3A, %dma_start3A] : memref<4x64xi32, #tpu.memory_space<vmem>> -> memref<1x64xi32, #tpu.memory_space<vmem>>
          %dma_start3A_145 = tpu.memref_squeeze %dma_start3A_144 : memref<1x64xi32, #tpu.memory_space<vmem>> -> memref<64xi32, #tpu.memory_space<vmem>>
          %dma_start3A_146 = arith.constant 0 : i32
          %dma_start3A_147 = arith.constant 0 : i32
          %dma_start3A_148 = tpu.memref_slice %arg13[%dma_start3A_146, %dma_start3A_147] : memref<10112x128xf32, #tpu.memory_space<vmem_shared>> -> memref<10112x128xf32, #tpu.memory_space<vmem_shared>>
          tpu.enqueue_indirect_dma source(%arg10 : memref<64x128xf32, #tpu.memory_space<vmem>>) target(%dma_start3A_148 : memref<10112x128xf32, #tpu.memory_space<vmem_shared>>) offsets(%dma_start3A_145 : memref<64xi32, #tpu.memory_space<vmem>>) semaphore(%run_scoped3A_143 : memref<!tpu.dma_semaphore, #tpu.memory_space<semaphore_mem>>) {add = true}
          %dma_wait3A_149 = arith.constant 0 : i32
          %dma_wait3A_150 = tpu.memref_slice %arg8[%run_scoped3A, %dma_wait3A_149] : memref<4x64xi32, #tpu.memory_space<vmem>> -> memref<1x64xi32, #tpu.memory_space<vmem>>
          %dma_wait3A_151 = tpu.memref_squeeze %dma_wait3A_150 : memref<1x64xi32, #tpu.memory_space<vmem>> -> memref<64xi32, #tpu.memory_space<vmem>>
          %dma_wait3A_152 = arith.constant 0 : i32
          %dma_wait3A_153 = arith.constant 0 : i32
          %dma_wait3A_154 = tpu.memref_slice %arg13[%dma_wait3A_152, %dma_wait3A_153] : memref<10112x128xf32, #tpu.memory_space<vmem_shared>> -> memref<10112x128xf32, #tpu.memory_space<vmem_shared>>
          tpu.wait_indirect_dma semaphore(%run_scoped3A_143 : memref<!tpu.dma_semaphore, #tpu.memory_space<semaphore_mem>>) src(%arg10 : memref<64x128xf32, #tpu.memory_space<vmem>>) dst(%dma_wait3A_154 : memref<10112x128xf32, #tpu.memory_space<vmem_shared>>)
          tpu.yield
        }) : () -> ()
        %add3A_137 = arith.constant 4 : i32
        %add3A_138 = arith.addi %add3A_91, %add3A_137 : i32
        %lt3A_139 = arith.cmpi slt, %add3A_138, %min3A : i32
        %convert_element_type3A_140 = arith.extui %lt3A_139 : i1 to i32
        %cond3A_141 = arith.constant 0 : i32
        %cond3A_142 = arith.cmpi ne, %convert_element_type3A_140, %cond3A_141 : i32
        scf.if %cond3A_142 {
          %add3A_143 = arith.addi %mul3A_2, %add3A_91 : i32
          %add3A_144 = arith.constant 4 : i32
          %add3A_145 = arith.addi %add3A_143, %add3A_144 : i32
          %dma_start3A = arith.constant 1 : i32
          %dma_start3A_146 = arith.constant 0 : i32
          %dma_start3A_147 = tpu.memref_slice %arg8[%dma_start3A, %dma_start3A_146] : memref<4x64xi32, #tpu.memory_space<vmem>> -> memref<1x64xi32, #tpu.memory_space<vmem>>
          %dma_start3A_148 = tpu.memref_squeeze %dma_start3A_147 : memref<1x64xi32, #tpu.memory_space<vmem>> -> memref<64xi32, #tpu.memory_space<vmem>>
          %dma_start3A_149 = arith.constant 0 : i32
          %dma_start3A_150 = tpu.memref_slice %arg3[%add3A_145, %dma_start3A_149] : memref<5000x64xi32, #tpu.memory_space<hbm>> -> memref<1x64xi32, #tpu.memory_space<hbm>>
          %dma_start3A_151 = tpu.memref_squeeze %dma_start3A_150 : memref<1x64xi32, #tpu.memory_space<hbm>> -> memref<64xi32, #tpu.memory_space<hbm>>
          %dma_start3A_152 = arith.constant 0 : i32
          %dma_start3A_153 = tpu.memref_slice %arg8[%dma_start3A, %dma_start3A_152] : memref<4x64xi32, #tpu.memory_space<vmem>> -> memref<1x64xi32, #tpu.memory_space<vmem>>
          %dma_start3A_154 = tpu.memref_squeeze %dma_start3A_153 : memref<1x64xi32, #tpu.memory_space<vmem>> -> memref<64xi32, #tpu.memory_space<vmem>>
          %dma_start3A_155 = arith.constant 0 : i32
          %dma_start3A_156 = tpu.memref_slice %arg3[%add3A_145, %dma_start3A_155] : memref<5000x64xi32, #tpu.memory_space<hbm>> -> memref<1x64xi32, #tpu.memory_space<hbm>>
          %dma_start3A_157 = tpu.memref_squeeze %dma_start3A_156 : memref<1x64xi32, #tpu.memory_space<hbm>> -> memref<64xi32, #tpu.memory_space<hbm>>
          tpu.enqueue_dma source(%dma_start3A_157 : memref<64xi32, #tpu.memory_space<hbm>>) target(%dma_start3A_154 : memref<64xi32, #tpu.memory_space<vmem>>) target_semaphore(%arg19 : memref<!tpu.dma_semaphore, #tpu.memory_space<semaphore_mem>>)
          %dma_wait3A_158 = arith.constant 0 : i32
          %dma_wait3A_159 = arith.constant 1 : i32
          %dma_wait3A_160 = arith.constant 0 : i32
          %dma_wait3A_161 = tpu.memref_slice %arg7[%dma_wait3A_159, %dma_wait3A_160] : memref<4x64xi32, #tpu.memory_space<vmem>> -> memref<1x64xi32, #tpu.memory_space<vmem>>
          %dma_wait3A_162 = tpu.memref_squeeze %dma_wait3A_161 : memref<1x64xi32, #tpu.memory_space<vmem>> -> memref<64xi32, #tpu.memory_space<vmem>>
          %dma_wait3A_163 = arith.constant 0 : i32
          %dma_wait3A_164 = tpu.memref_slice %arg4[%dma_wait3A_158, %dma_wait3A_163] : memref<5000x64xi32, #tpu.memory_space<hbm>> -> memref<1x64xi32, #tpu.memory_space<hbm>>
          %dma_wait3A_165 = tpu.memref_squeeze %dma_wait3A_164 : memref<1x64xi32, #tpu.memory_space<hbm>> -> memref<64xi32, #tpu.memory_space<hbm>>
          %dma_wait3A_166 = arith.constant 0 : i32
          %dma_wait3A_167 = tpu.memref_slice %arg7[%dma_wait3A_159, %dma_wait3A_166] : memref<4x64xi32, #tpu.memory_space<vmem>> -> memref<1x64xi32, #tpu.memory_space<vmem>>
          %dma_wait3A_168 = tpu.memref_squeeze %dma_wait3A_167 : memref<1x64xi32, #tpu.memory_space<vmem>> -> memref<64xi32, #tpu.memory_space<vmem>>
          %dma_wait3A_169 = arith.constant 0 : i32
          %dma_wait3A_170 = tpu.memref_slice %arg4[%dma_wait3A_158, %dma_wait3A_169] : memref<5000x64xi32, #tpu.memory_space<hbm>> -> memref<1x64xi32, #tpu.memory_space<hbm>>
          %dma_wait3A_171 = tpu.memref_squeeze %dma_wait3A_170 : memref<1x64xi32, #tpu.memory_space<hbm>> -> memref<64xi32, #tpu.memory_space<hbm>>
          tpu.wait_dma2 semaphore(%arg23 : memref<!tpu.dma_semaphore, #tpu.memory_space<semaphore_mem>>) src(%dma_wait3A_171 : memref<64xi32, #tpu.memory_space<hbm>>) dst(%dma_wait3A_168 : memref<64xi32, #tpu.memory_space<vmem>>)
          %dma_start3A_172 = arith.constant 1 : i32
          %dma_start3A_173 = arith.constant 0 : i32
          %dma_start3A_174 = tpu.memref_slice %arg7[%dma_start3A_172, %dma_start3A_173] : memref<4x64xi32, #tpu.memory_space<vmem>> -> memref<1x64xi32, #tpu.memory_space<vmem>>
          %dma_start3A_175 = tpu.memref_squeeze %dma_start3A_174 : memref<1x64xi32, #tpu.memory_space<vmem>> -> memref<64xi32, #tpu.memory_space<vmem>>
          %dma_start3A_176 = arith.constant 0 : i32
          %dma_start3A_177 = arith.constant 0 : i32
          %dma_start3A_178 = tpu.memref_slice %arg2[%dma_start3A_176, %dma_start3A_177] : memref<10000x128xf32, #tpu.memory_space<hbm>> -> memref<10000x128xf32, #tpu.memory_space<hbm>>
          tpu.enqueue_indirect_dma source(%dma_start3A_178 : memref<10000x128xf32, #tpu.memory_space<hbm>>) target(%arg10 : memref<64x128xf32, #tpu.memory_space<vmem>>) offsets(%dma_start3A_175 : memref<64xi32, #tpu.memory_space<vmem>>) semaphore(%arg15 : memref<!tpu.dma_semaphore, #tpu.memory_space<semaphore_mem>>)
        } else {
        }
      } else {
      }
      %mul3A_96 = arith.constant 4 : i32
      %mul3A_97 = arith.muli %while3A_80, %mul3A_96 : i32
      %add3A_98 = arith.constant 2 : i32
      %add3A_99 = arith.addi %mul3A_97, %add3A_98 : i32
      %lt3A_100 = arith.cmpi slt, %add3A_99, %min3A : i32
      %convert_element_type3A_101 = arith.extui %lt3A_100 : i1 to i32
      %cond3A_102 = arith.constant 0 : i32
      %cond3A_103 = arith.cmpi ne, %convert_element_type3A_101, %cond3A_102 : i32
      scf.if %cond3A_103 {
        %dma_wait3A = arith.constant 0 : i32
        %dma_wait3A_112 = arith.constant 0 : i32
        %dma_wait3A_113 = tpu.memref_slice %arg2[%dma_wait3A, %dma_wait3A_112] : memref<10000x128xf32, #tpu.memory_space<hbm>> -> memref<64x128xf32, #tpu.memory_space<hbm>>
        %dma_wait3A_114 = arith.constant 0 : i32
        %dma_wait3A_115 = arith.constant 0 : i32
        %dma_wait3A_116 = tpu.memref_slice %arg2[%dma_wait3A_114, %dma_wait3A_115] : memref<10000x128xf32, #tpu.memory_space<hbm>> -> memref<64x128xf32, #tpu.memory_space<hbm>>
        tpu.wait_dma2 semaphore(%arg16 : memref<!tpu.dma_semaphore, #tpu.memory_space<semaphore_mem>>) src(%dma_wait3A_116 : memref<64x128xf32, #tpu.memory_space<hbm>>) dst(%arg11 : memref<64x128xf32, #tpu.memory_space<vmem>>)
        %add3A_117 = arith.constant 4 : i32
        %add3A_118 = arith.addi %add3A_99, %add3A_117 : i32
        %lt3A_119 = arith.cmpi slt, %add3A_118, %min3A : i32
        %convert_element_type3A_120 = arith.extui %lt3A_119 : i1 to i32
        %cond3A_121 = arith.constant 0 : i32
        %cond3A_122 = arith.cmpi ne, %convert_element_type3A_120, %cond3A_121 : i32
        scf.if %cond3A_122 {
          %add3A_143 = arith.addi %mul3A_2, %add3A_99 : i32
          %add3A_144 = arith.constant 4 : i32
          %add3A_145 = arith.addi %add3A_143, %add3A_144 : i32
          %dma_start3A = arith.constant 2 : i32
          %dma_start3A_146 = arith.constant 0 : i32
          %dma_start3A_147 = tpu.memref_slice %arg7[%dma_start3A, %dma_start3A_146] : memref<4x64xi32, #tpu.memory_space<vmem>> -> memref<1x64xi32, #tpu.memory_space<vmem>>
          %dma_start3A_148 = tpu.memref_squeeze %dma_start3A_147 : memref<1x64xi32, #tpu.memory_space<vmem>> -> memref<64xi32, #tpu.memory_space<vmem>>
          %dma_start3A_149 = arith.constant 0 : i32
          %dma_start3A_150 = tpu.memref_slice %arg4[%add3A_145, %dma_start3A_149] : memref<5000x64xi32, #tpu.memory_space<hbm>> -> memref<1x64xi32, #tpu.memory_space<hbm>>
          %dma_start3A_151 = tpu.memref_squeeze %dma_start3A_150 : memref<1x64xi32, #tpu.memory_space<hbm>> -> memref<64xi32, #tpu.memory_space<hbm>>
          %dma_start3A_152 = arith.constant 0 : i32
          %dma_start3A_153 = tpu.memref_slice %arg7[%dma_start3A, %dma_start3A_152] : memref<4x64xi32, #tpu.memory_space<vmem>> -> memref<1x64xi32, #tpu.memory_space<vmem>>
          %dma_start3A_154 = tpu.memref_squeeze %dma_start3A_153 : memref<1x64xi32, #tpu.memory_space<vmem>> -> memref<64xi32, #tpu.memory_space<vmem>>
          %dma_start3A_155 = arith.constant 0 : i32
          %dma_start3A_156 = tpu.memref_slice %arg4[%add3A_145, %dma_start3A_155] : memref<5000x64xi32, #tpu.memory_space<hbm>> -> memref<1x64xi32, #tpu.memory_space<hbm>>
          %dma_start3A_157 = tpu.memref_squeeze %dma_start3A_156 : memref<1x64xi32, #tpu.memory_space<hbm>> -> memref<64xi32, #tpu.memory_space<hbm>>
          tpu.enqueue_dma source(%dma_start3A_157 : memref<64xi32, #tpu.memory_space<hbm>>) target(%dma_start3A_154 : memref<64xi32, #tpu.memory_space<vmem>>) target_semaphore(%arg24 : memref<!tpu.dma_semaphore, #tpu.memory_space<semaphore_mem>>)
        } else {
        }
        %dma_wait3A_123 = arith.constant 0 : i32
        %dma_wait3A_124 = arith.constant 2 : i32
        %dma_wait3A_125 = arith.constant 0 : i32
        %dma_wait3A_126 = tpu.memref_slice %arg8[%dma_wait3A_124, %dma_wait3A_125] : memref<4x64xi32, #tpu.memory_space<vmem>> -> memref<1x64xi32, #tpu.memory_space<vmem>>
        %dma_wait3A_127 = tpu.memref_squeeze %dma_wait3A_126 : memref<1x64xi32, #tpu.memory_space<vmem>> -> memref<64xi32, #tpu.memory_space<vmem>>
        %dma_wait3A_128 = arith.constant 0 : i32
        %dma_wait3A_129 = tpu.memref_slice %arg3[%dma_wait3A_123, %dma_wait3A_128] : memref<5000x64xi32, #tpu.memory_space<hbm>> -> memref<1x64xi32, #tpu.memory_space<hbm>>
        %dma_wait3A_130 = tpu.memref_squeeze %dma_wait3A_129 : memref<1x64xi32, #tpu.memory_space<hbm>> -> memref<64xi32, #tpu.memory_space<hbm>>
        %dma_wait3A_131 = arith.constant 0 : i32
        %dma_wait3A_132 = tpu.memref_slice %arg8[%dma_wait3A_124, %dma_wait3A_131] : memref<4x64xi32, #tpu.memory_space<vmem>> -> memref<1x64xi32, #tpu.memory_space<vmem>>
        %dma_wait3A_133 = tpu.memref_squeeze %dma_wait3A_132 : memref<1x64xi32, #tpu.memory_space<vmem>> -> memref<64xi32, #tpu.memory_space<vmem>>
        %dma_wait3A_134 = arith.constant 0 : i32
        %dma_wait3A_135 = tpu.memref_slice %arg3[%dma_wait3A_123, %dma_wait3A_134] : memref<5000x64xi32, #tpu.memory_space<hbm>> -> memref<1x64xi32, #tpu.memory_space<hbm>>
        %dma_wait3A_136 = tpu.memref_squeeze %dma_wait3A_135 : memref<1x64xi32, #tpu.memory_space<hbm>> -> memref<64xi32, #tpu.memory_space<hbm>>
        tpu.wait_dma2 semaphore(%arg20 : memref<!tpu.dma_semaphore, #tpu.memory_space<semaphore_mem>>) src(%dma_wait3A_136 : memref<64xi32, #tpu.memory_space<hbm>>) dst(%dma_wait3A_133 : memref<64xi32, #tpu.memory_space<vmem>>)
        %run_scoped3A = arith.constant 2 : i32
        "tpu.region"() ({
          %run_scoped3A_143 = tpu.sem_alloc : memref<!tpu.dma_semaphore, #tpu.memory_space<semaphore_mem>>
          %dma_start3A = arith.constant 0 : i32
          %dma_start3A_144 = tpu.memref_slice %arg8[%run_scoped3A, %dma_start3A] : memref<4x64xi32, #tpu.memory_space<vmem>> -> memref<1x64xi32, #tpu.memory_space<vmem>>
          %dma_start3A_145 = tpu.memref_squeeze %dma_start3A_144 : memref<1x64xi32, #tpu.memory_space<vmem>> -> memref<64xi32, #tpu.memory_space<vmem>>
          %dma_start3A_146 = arith.constant 0 : i32
          %dma_start3A_147 = arith.constant 0 : i32
          %dma_start3A_148 = tpu.memref_slice %arg13[%dma_start3A_146, %dma_start3A_147] : memref<10112x128xf32, #tpu.memory_space<vmem_shared>> -> memref<10112x128xf32, #tpu.memory_space<vmem_shared>>
          tpu.enqueue_indirect_dma source(%arg11 : memref<64x128xf32, #tpu.memory_space<vmem>>) target(%dma_start3A_148 : memref<10112x128xf32, #tpu.memory_space<vmem_shared>>) offsets(%dma_start3A_145 : memref<64xi32, #tpu.memory_space<vmem>>) semaphore(%run_scoped3A_143 : memref<!tpu.dma_semaphore, #tpu.memory_space<semaphore_mem>>) {add = true}
          %dma_wait3A_149 = arith.constant 0 : i32
          %dma_wait3A_150 = tpu.memref_slice %arg8[%run_scoped3A, %dma_wait3A_149] : memref<4x64xi32, #tpu.memory_space<vmem>> -> memref<1x64xi32, #tpu.memory_space<vmem>>
          %dma_wait3A_151 = tpu.memref_squeeze %dma_wait3A_150 : memref<1x64xi32, #tpu.memory_space<vmem>> -> memref<64xi32, #tpu.memory_space<vmem>>
          %dma_wait3A_152 = arith.constant 0 : i32
          %dma_wait3A_153 = arith.constant 0 : i32
          %dma_wait3A_154 = tpu.memref_slice %arg13[%dma_wait3A_152, %dma_wait3A_153] : memref<10112x128xf32, #tpu.memory_space<vmem_shared>> -> memref<10112x128xf32, #tpu.memory_space<vmem_shared>>
          tpu.wait_indirect_dma semaphore(%run_scoped3A_143 : memref<!tpu.dma_semaphore, #tpu.memory_space<semaphore_mem>>) src(%arg11 : memref<64x128xf32, #tpu.memory_space<vmem>>) dst(%dma_wait3A_154 : memref<10112x128xf32, #tpu.memory_space<vmem_shared>>)
          tpu.yield
        }) : () -> ()
        %add3A_137 = arith.constant 4 : i32
        %add3A_138 = arith.addi %add3A_99, %add3A_137 : i32
        %lt3A_139 = arith.cmpi slt, %add3A_138, %min3A : i32
        %convert_element_type3A_140 = arith.extui %lt3A_139 : i1 to i32
        %cond3A_141 = arith.constant 0 : i32
        %cond3A_142 = arith.cmpi ne, %convert_element_type3A_140, %cond3A_141 : i32
        scf.if %cond3A_142 {
          %add3A_143 = arith.addi %mul3A_2, %add3A_99 : i32
          %add3A_144 = arith.constant 4 : i32
          %add3A_145 = arith.addi %add3A_143, %add3A_144 : i32
          %dma_start3A = arith.constant 2 : i32
          %dma_start3A_146 = arith.constant 0 : i32
          %dma_start3A_147 = tpu.memref_slice %arg8[%dma_start3A, %dma_start3A_146] : memref<4x64xi32, #tpu.memory_space<vmem>> -> memref<1x64xi32, #tpu.memory_space<vmem>>
          %dma_start3A_148 = tpu.memref_squeeze %dma_start3A_147 : memref<1x64xi32, #tpu.memory_space<vmem>> -> memref<64xi32, #tpu.memory_space<vmem>>
          %dma_start3A_149 = arith.constant 0 : i32
          %dma_start3A_150 = tpu.memref_slice %arg3[%add3A_145, %dma_start3A_149] : memref<5000x64xi32, #tpu.memory_space<hbm>> -> memref<1x64xi32, #tpu.memory_space<hbm>>
          %dma_start3A_151 = tpu.memref_squeeze %dma_start3A_150 : memref<1x64xi32, #tpu.memory_space<hbm>> -> memref<64xi32, #tpu.memory_space<hbm>>
          %dma_start3A_152 = arith.constant 0 : i32
          %dma_start3A_153 = tpu.memref_slice %arg8[%dma_start3A, %dma_start3A_152] : memref<4x64xi32, #tpu.memory_space<vmem>> -> memref<1x64xi32, #tpu.memory_space<vmem>>
          %dma_start3A_154 = tpu.memref_squeeze %dma_start3A_153 : memref<1x64xi32, #tpu.memory_space<vmem>> -> memref<64xi32, #tpu.memory_space<vmem>>
          %dma_start3A_155 = arith.constant 0 : i32
          %dma_start3A_156 = tpu.memref_slice %arg3[%add3A_145, %dma_start3A_155] : memref<5000x64xi32, #tpu.memory_space<hbm>> -> memref<1x64xi32, #tpu.memory_space<hbm>>
          %dma_start3A_157 = tpu.memref_squeeze %dma_start3A_156 : memref<1x64xi32, #tpu.memory_space<hbm>> -> memref<64xi32, #tpu.memory_space<hbm>>
          tpu.enqueue_dma source(%dma_start3A_157 : memref<64xi32, #tpu.memory_space<hbm>>) target(%dma_start3A_154 : memref<64xi32, #tpu.memory_space<vmem>>) target_semaphore(%arg20 : memref<!tpu.dma_semaphore, #tpu.memory_space<semaphore_mem>>)
          %dma_wait3A_158 = arith.constant 0 : i32
          %dma_wait3A_159 = arith.constant 2 : i32
          %dma_wait3A_160 = arith.constant 0 : i32
          %dma_wait3A_161 = tpu.memref_slice %arg7[%dma_wait3A_159, %dma_wait3A_160] : memref<4x64xi32, #tpu.memory_space<vmem>> -> memref<1x64xi32, #tpu.memory_space<vmem>>
          %dma_wait3A_162 = tpu.memref_squeeze %dma_wait3A_161 : memref<1x64xi32, #tpu.memory_space<vmem>> -> memref<64xi32, #tpu.memory_space<vmem>>
          %dma_wait3A_163 = arith.constant 0 : i32
          %dma_wait3A_164 = tpu.memref_slice %arg4[%dma_wait3A_158, %dma_wait3A_163] : memref<5000x64xi32, #tpu.memory_space<hbm>> -> memref<1x64xi32, #tpu.memory_space<hbm>>
          %dma_wait3A_165 = tpu.memref_squeeze %dma_wait3A_164 : memref<1x64xi32, #tpu.memory_space<hbm>> -> memref<64xi32, #tpu.memory_space<hbm>>
          %dma_wait3A_166 = arith.constant 0 : i32
          %dma_wait3A_167 = tpu.memref_slice %arg7[%dma_wait3A_159, %dma_wait3A_166] : memref<4x64xi32, #tpu.memory_space<vmem>> -> memref<1x64xi32, #tpu.memory_space<vmem>>
          %dma_wait3A_168 = tpu.memref_squeeze %dma_wait3A_167 : memref<1x64xi32, #tpu.memory_space<vmem>> -> memref<64xi32, #tpu.memory_space<vmem>>
          %dma_wait3A_169 = arith.constant 0 : i32
          %dma_wait3A_170 = tpu.memref_slice %arg4[%dma_wait3A_158, %dma_wait3A_169] : memref<5000x64xi32, #tpu.memory_space<hbm>> -> memref<1x64xi32, #tpu.memory_space<hbm>>
          %dma_wait3A_171 = tpu.memref_squeeze %dma_wait3A_170 : memref<1x64xi32, #tpu.memory_space<hbm>> -> memref<64xi32, #tpu.memory_space<hbm>>
          tpu.wait_dma2 semaphore(%arg24 : memref<!tpu.dma_semaphore, #tpu.memory_space<semaphore_mem>>) src(%dma_wait3A_171 : memref<64xi32, #tpu.memory_space<hbm>>) dst(%dma_wait3A_168 : memref<64xi32, #tpu.memory_space<vmem>>)
          %dma_start3A_172 = arith.constant 2 : i32
          %dma_start3A_173 = arith.constant 0 : i32
          %dma_start3A_174 = tpu.memref_slice %arg7[%dma_start3A_172, %dma_start3A_173] : memref<4x64xi32, #tpu.memory_space<vmem>> -> memref<1x64xi32, #tpu.memory_space<vmem>>
          %dma_start3A_175 = tpu.memref_squeeze %dma_start3A_174 : memref<1x64xi32, #tpu.memory_space<vmem>> -> memref<64xi32, #tpu.memory_space<vmem>>
          %dma_start3A_176 = arith.constant 0 : i32
          %dma_start3A_177 = arith.constant 0 : i32
          %dma_start3A_178 = tpu.memref_slice %arg2[%dma_start3A_176, %dma_start3A_177] : memref<10000x128xf32, #tpu.memory_space<hbm>> -> memref<10000x128xf32, #tpu.memory_space<hbm>>
          tpu.enqueue_indirect_dma source(%dma_start3A_178 : memref<10000x128xf32, #tpu.memory_space<hbm>>) target(%arg11 : memref<64x128xf32, #tpu.memory_space<vmem>>) offsets(%dma_start3A_175 : memref<64xi32, #tpu.memory_space<vmem>>) semaphore(%arg16 : memref<!tpu.dma_semaphore, #tpu.memory_space<semaphore_mem>>)
        } else {
        }
      } else {
      }
      %mul3A_104 = arith.constant 4 : i32
      %mul3A_105 = arith.muli %while3A_80, %mul3A_104 : i32
      %add3A_106 = arith.constant 3 : i32
      %add3A_107 = arith.addi %mul3A_105, %add3A_106 : i32
      %lt3A_108 = arith.cmpi slt, %add3A_107, %min3A : i32
      %convert_element_type3A_109 = arith.extui %lt3A_108 : i1 to i32
      %cond3A_110 = arith.constant 0 : i32
      %cond3A_111 = arith.cmpi ne, %convert_element_type3A_109, %cond3A_110 : i32
      scf.if %cond3A_111 {
        %dma_wait3A = arith.constant 0 : i32
        %dma_wait3A_112 = arith.constant 0 : i32
        %dma_wait3A_113 = tpu.memref_slice %arg2[%dma_wait3A, %dma_wait3A_112] : memref<10000x128xf32, #tpu.memory_space<hbm>> -> memref<64x128xf32, #tpu.memory_space<hbm>>
        %dma_wait3A_114 = arith.constant 0 : i32
        %dma_wait3A_115 = arith.constant 0 : i32
        %dma_wait3A_116 = tpu.memref_slice %arg2[%dma_wait3A_114, %dma_wait3A_115] : memref<10000x128xf32, #tpu.memory_space<hbm>> -> memref<64x128xf32, #tpu.memory_space<hbm>>
        tpu.wait_dma2 semaphore(%arg17 : memref<!tpu.dma_semaphore, #tpu.memory_space<semaphore_mem>>) src(%dma_wait3A_116 : memref<64x128xf32, #tpu.memory_space<hbm>>) dst(%arg12 : memref<64x128xf32, #tpu.memory_space<vmem>>)
        %add3A_117 = arith.constant 4 : i32
        %add3A_118 = arith.addi %add3A_107, %add3A_117 : i32
        %lt3A_119 = arith.cmpi slt, %add3A_118, %min3A : i32
        %convert_element_type3A_120 = arith.extui %lt3A_119 : i1 to i32
        %cond3A_121 = arith.constant 0 : i32
        %cond3A_122 = arith.cmpi ne, %convert_element_type3A_120, %cond3A_121 : i32
        scf.if %cond3A_122 {
          %add3A_143 = arith.addi %mul3A_2, %add3A_107 : i32
          %add3A_144 = arith.constant 4 : i32
          %add3A_145 = arith.addi %add3A_143, %add3A_144 : i32
          %dma_start3A = arith.constant 3 : i32
          %dma_start3A_146 = arith.constant 0 : i32
          %dma_start3A_147 = tpu.memref_slice %arg7[%dma_start3A, %dma_start3A_146] : memref<4x64xi32, #tpu.memory_space<vmem>> -> memref<1x64xi32, #tpu.memory_space<vmem>>
          %dma_start3A_148 = tpu.memref_squeeze %dma_start3A_147 : memref<1x64xi32, #tpu.memory_space<vmem>> -> memref<64xi32, #tpu.memory_space<vmem>>
          %dma_start3A_149 = arith.constant 0 : i32
          %dma_start3A_150 = tpu.memref_slice %arg4[%add3A_145, %dma_start3A_149] : memref<5000x64xi32, #tpu.memory_space<hbm>> -> memref<1x64xi32, #tpu.memory_space<hbm>>
          %dma_start3A_151 = tpu.memref_squeeze %dma_start3A_150 : memref<1x64xi32, #tpu.memory_space<hbm>> -> memref<64xi32, #tpu.memory_space<hbm>>
          %dma_start3A_152 = arith.constant 0 : i32
          %dma_start3A_153 = tpu.memref_slice %arg7[%dma_start3A, %dma_start3A_152] : memref<4x64xi32, #tpu.memory_space<vmem>> -> memref<1x64xi32, #tpu.memory_space<vmem>>
          %dma_start3A_154 = tpu.memref_squeeze %dma_start3A_153 : memref<1x64xi32, #tpu.memory_space<vmem>> -> memref<64xi32, #tpu.memory_space<vmem>>
          %dma_start3A_155 = arith.constant 0 : i32
          %dma_start3A_156 = tpu.memref_slice %arg4[%add3A_145, %dma_start3A_155] : memref<5000x64xi32, #tpu.memory_space<hbm>> -> memref<1x64xi32, #tpu.memory_space<hbm>>
          %dma_start3A_157 = tpu.memref_squeeze %dma_start3A_156 : memref<1x64xi32, #tpu.memory_space<hbm>> -> memref<64xi32, #tpu.memory_space<hbm>>
          tpu.enqueue_dma source(%dma_start3A_157 : memref<64xi32, #tpu.memory_space<hbm>>) target(%dma_start3A_154 : memref<64xi32, #tpu.memory_space<vmem>>) target_semaphore(%arg25 : memref<!tpu.dma_semaphore, #tpu.memory_space<semaphore_mem>>)
        } else {
        }
        %dma_wait3A_123 = arith.constant 0 : i32
        %dma_wait3A_124 = arith.constant 3 : i32
        %dma_wait3A_125 = arith.constant 0 : i32
        %dma_wait3A_126 = tpu.memref_slice %arg8[%dma_wait3A_124, %dma_wait3A_125] : memref<4x64xi32, #tpu.memory_space<vmem>> -> memref<1x64xi32, #tpu.memory_space<vmem>>
        %dma_wait3A_127 = tpu.memref_squeeze %dma_wait3A_126 : memref<1x64xi32, #tpu.memory_space<vmem>> -> memref<64xi32, #tpu.memory_space<vmem>>
        %dma_wait3A_128 = arith.constant 0 : i32
        %dma_wait3A_129 = tpu.memref_slice %arg3[%dma_wait3A_123, %dma_wait3A_128] : memref<5000x64xi32, #tpu.memory_space<hbm>> -> memref<1x64xi32, #tpu.memory_space<hbm>>
        %dma_wait3A_130 = tpu.memref_squeeze %dma_wait3A_129 : memref<1x64xi32, #tpu.memory_space<hbm>> -> memref<64xi32, #tpu.memory_space<hbm>>
        %dma_wait3A_131 = arith.constant 0 : i32
        %dma_wait3A_132 = tpu.memref_slice %arg8[%dma_wait3A_124, %dma_wait3A_131] : memref<4x64xi32, #tpu.memory_space<vmem>> -> memref<1x64xi32, #tpu.memory_space<vmem>>
        %dma_wait3A_133 = tpu.memref_squeeze %dma_wait3A_132 : memref<1x64xi32, #tpu.memory_space<vmem>> -> memref<64xi32, #tpu.memory_space<vmem>>
        %dma_wait3A_134 = arith.constant 0 : i32
        %dma_wait3A_135 = tpu.memref_slice %arg3[%dma_wait3A_123, %dma_wait3A_134] : memref<5000x64xi32, #tpu.memory_space<hbm>> -> memref<1x64xi32, #tpu.memory_space<hbm>>
        %dma_wait3A_136 = tpu.memref_squeeze %dma_wait3A_135 : memref<1x64xi32, #tpu.memory_space<hbm>> -> memref<64xi32, #tpu.memory_space<hbm>>
        tpu.wait_dma2 semaphore(%arg21 : memref<!tpu.dma_semaphore, #tpu.memory_space<semaphore_mem>>) src(%dma_wait3A_136 : memref<64xi32, #tpu.memory_space<hbm>>) dst(%dma_wait3A_133 : memref<64xi32, #tpu.memory_space<vmem>>)
        %run_scoped3A = arith.constant 3 : i32
        "tpu.region"() ({
          %run_scoped3A_143 = tpu.sem_alloc : memref<!tpu.dma_semaphore, #tpu.memory_space<semaphore_mem>>
          %dma_start3A = arith.constant 0 : i32
          %dma_start3A_144 = tpu.memref_slice %arg8[%run_scoped3A, %dma_start3A] : memref<4x64xi32, #tpu.memory_space<vmem>> -> memref<1x64xi32, #tpu.memory_space<vmem>>
          %dma_start3A_145 = tpu.memref_squeeze %dma_start3A_144 : memref<1x64xi32, #tpu.memory_space<vmem>> -> memref<64xi32, #tpu.memory_space<vmem>>
          %dma_start3A_146 = arith.constant 0 : i32
          %dma_start3A_147 = arith.constant 0 : i32
          %dma_start3A_148 = tpu.memref_slice %arg13[%dma_start3A_146, %dma_start3A_147] : memref<10112x128xf32, #tpu.memory_space<vmem_shared>> -> memref<10112x128xf32, #tpu.memory_space<vmem_shared>>
          tpu.enqueue_indirect_dma source(%arg12 : memref<64x128xf32, #tpu.memory_space<vmem>>) target(%dma_start3A_148 : memref<10112x128xf32, #tpu.memory_space<vmem_shared>>) offsets(%dma_start3A_145 : memref<64xi32, #tpu.memory_space<vmem>>) semaphore(%run_scoped3A_143 : memref<!tpu.dma_semaphore, #tpu.memory_space<semaphore_mem>>) {add = true}
          %dma_wait3A_149 = arith.constant 0 : i32
          %dma_wait3A_150 = tpu.memref_slice %arg8[%run_scoped3A, %dma_wait3A_149] : memref<4x64xi32, #tpu.memory_space<vmem>> -> memref<1x64xi32, #tpu.memory_space<vmem>>
          %dma_wait3A_151 = tpu.memref_squeeze %dma_wait3A_150 : memref<1x64xi32, #tpu.memory_space<vmem>> -> memref<64xi32, #tpu.memory_space<vmem>>
          %dma_wait3A_152 = arith.constant 0 : i32
          %dma_wait3A_153 = arith.constant 0 : i32
          %dma_wait3A_154 = tpu.memref_slice %arg13[%dma_wait3A_152, %dma_wait3A_153] : memref<10112x128xf32, #tpu.memory_space<vmem_shared>> -> memref<10112x128xf32, #tpu.memory_space<vmem_shared>>
          tpu.wait_indirect_dma semaphore(%run_scoped3A_143 : memref<!tpu.dma_semaphore, #tpu.memory_space<semaphore_mem>>) src(%arg12 : memref<64x128xf32, #tpu.memory_space<vmem>>) dst(%dma_wait3A_154 : memref<10112x128xf32, #tpu.memory_space<vmem_shared>>)
          tpu.yield
        }) : () -> ()
        %add3A_137 = arith.constant 4 : i32
        %add3A_138 = arith.addi %add3A_107, %add3A_137 : i32
        %lt3A_139 = arith.cmpi slt, %add3A_138, %min3A : i32
        %convert_element_type3A_140 = arith.extui %lt3A_139 : i1 to i32
        %cond3A_141 = arith.constant 0 : i32
        %cond3A_142 = arith.cmpi ne, %convert_element_type3A_140, %cond3A_141 : i32
        scf.if %cond3A_142 {
          %add3A_143 = arith.addi %mul3A_2, %add3A_107 : i32
          %add3A_144 = arith.constant 4 : i32
          %add3A_145 = arith.addi %add3A_143, %add3A_144 : i32
          %dma_start3A = arith.constant 3 : i32
          %dma_start3A_146 = arith.constant 0 : i32
          %dma_start3A_147 = tpu.memref_slice %arg8[%dma_start3A, %dma_start3A_146] : memref<4x64xi32, #tpu.memory_space<vmem>> -> memref<1x64xi32, #tpu.memory_space<vmem>>
          %dma_start3A_148 = tpu.memref_squeeze %dma_start3A_147 : memref<1x64xi32, #tpu.memory_space<vmem>> -> memref<64xi32, #tpu.memory_space<vmem>>
          %dma_start3A_149 = arith.constant 0 : i32
          %dma_start3A_150 = tpu.memref_slice %arg3[%add3A_145, %dma_start3A_149] : memref<5000x64xi32, #tpu.memory_space<hbm>> -> memref<1x64xi32, #tpu.memory_space<hbm>>
          %dma_start3A_151 = tpu.memref_squeeze %dma_start3A_150 : memref<1x64xi32, #tpu.memory_space<hbm>> -> memref<64xi32, #tpu.memory_space<hbm>>
          %dma_start3A_152 = arith.constant 0 : i32
          %dma_start3A_153 = tpu.memref_slice %arg8[%dma_start3A, %dma_start3A_152] : memref<4x64xi32, #tpu.memory_space<vmem>> -> memref<1x64xi32, #tpu.memory_space<vmem>>
          %dma_start3A_154 = tpu.memref_squeeze %dma_start3A_153 : memref<1x64xi32, #tpu.memory_space<vmem>> -> memref<64xi32, #tpu.memory_space<vmem>>
          %dma_start3A_155 = arith.constant 0 : i32
          %dma_start3A_156 = tpu.memref_slice %arg3[%add3A_145, %dma_start3A_155] : memref<5000x64xi32, #tpu.memory_space<hbm>> -> memref<1x64xi32, #tpu.memory_space<hbm>>
          %dma_start3A_157 = tpu.memref_squeeze %dma_start3A_156 : memref<1x64xi32, #tpu.memory_space<hbm>> -> memref<64xi32, #tpu.memory_space<hbm>>
          tpu.enqueue_dma source(%dma_start3A_157 : memref<64xi32, #tpu.memory_space<hbm>>) target(%dma_start3A_154 : memref<64xi32, #tpu.memory_space<vmem>>) target_semaphore(%arg21 : memref<!tpu.dma_semaphore, #tpu.memory_space<semaphore_mem>>)
          %dma_wait3A_158 = arith.constant 0 : i32
          %dma_wait3A_159 = arith.constant 3 : i32
          %dma_wait3A_160 = arith.constant 0 : i32
          %dma_wait3A_161 = tpu.memref_slice %arg7[%dma_wait3A_159, %dma_wait3A_160] : memref<4x64xi32, #tpu.memory_space<vmem>> -> memref<1x64xi32, #tpu.memory_space<vmem>>
          %dma_wait3A_162 = tpu.memref_squeeze %dma_wait3A_161 : memref<1x64xi32, #tpu.memory_space<vmem>> -> memref<64xi32, #tpu.memory_space<vmem>>
          %dma_wait3A_163 = arith.constant 0 : i32
          %dma_wait3A_164 = tpu.memref_slice %arg4[%dma_wait3A_158, %dma_wait3A_163] : memref<5000x64xi32, #tpu.memory_space<hbm>> -> memref<1x64xi32, #tpu.memory_space<hbm>>
          %dma_wait3A_165 = tpu.memref_squeeze %dma_wait3A_164 : memref<1x64xi32, #tpu.memory_space<hbm>> -> memref<64xi32, #tpu.memory_space<hbm>>
          %dma_wait3A_166 = arith.constant 0 : i32
          %dma_wait3A_167 = tpu.memref_slice %arg7[%dma_wait3A_159, %dma_wait3A_166] : memref<4x64xi32, #tpu.memory_space<vmem>> -> memref<1x64xi32, #tpu.memory_space<vmem>>
          %dma_wait3A_168 = tpu.memref_squeeze %dma_wait3A_167 : memref<1x64xi32, #tpu.memory_space<vmem>> -> memref<64xi32, #tpu.memory_space<vmem>>
          %dma_wait3A_169 = arith.constant 0 : i32
          %dma_wait3A_170 = tpu.memref_slice %arg4[%dma_wait3A_158, %dma_wait3A_169] : memref<5000x64xi32, #tpu.memory_space<hbm>> -> memref<1x64xi32, #tpu.memory_space<hbm>>
          %dma_wait3A_171 = tpu.memref_squeeze %dma_wait3A_170 : memref<1x64xi32, #tpu.memory_space<hbm>> -> memref<64xi32, #tpu.memory_space<hbm>>
          tpu.wait_dma2 semaphore(%arg25 : memref<!tpu.dma_semaphore, #tpu.memory_space<semaphore_mem>>) src(%dma_wait3A_171 : memref<64xi32, #tpu.memory_space<hbm>>) dst(%dma_wait3A_168 : memref<64xi32, #tpu.memory_space<vmem>>)
          %dma_start3A_172 = arith.constant 3 : i32
          %dma_start3A_173 = arith.constant 0 : i32
          %dma_start3A_174 = tpu.memref_slice %arg7[%dma_start3A_172, %dma_start3A_173] : memref<4x64xi32, #tpu.memory_space<vmem>> -> memref<1x64xi32, #tpu.memory_space<vmem>>
          %dma_start3A_175 = tpu.memref_squeeze %dma_start3A_174 : memref<1x64xi32, #tpu.memory_space<vmem>> -> memref<64xi32, #tpu.memory_space<vmem>>
          %dma_start3A_176 = arith.constant 0 : i32
          %dma_start3A_177 = arith.constant 0 : i32
          %dma_start3A_178 = tpu.memref_slice %arg2[%dma_start3A_176, %dma_start3A_177] : memref<10000x128xf32, #tpu.memory_space<hbm>> -> memref<10000x128xf32, #tpu.memory_space<hbm>>
          tpu.enqueue_indirect_dma source(%dma_start3A_178 : memref<10000x128xf32, #tpu.memory_space<hbm>>) target(%arg12 : memref<64x128xf32, #tpu.memory_space<vmem>>) offsets(%dma_start3A_175 : memref<64xi32, #tpu.memory_space<vmem>>) semaphore(%arg17 : memref<!tpu.dma_semaphore, #tpu.memory_space<semaphore_mem>>)
        } else {
        }
      } else {
      }
    }
    %while3A_74 = arith.constant 1 : i32
    scf.for %while3A_80 = %while3A_72 to %while3A_68 step %while3A_74  : i32 {
      %mul3A_81 = arith.constant 4 : i32
      %mul3A_82 = arith.muli %while3A_80, %mul3A_81 : i32
      %add3A_83 = arith.constant 0 : i32
      %add3A_84 = arith.addi %mul3A_82, %add3A_83 : i32
      %lt3A = arith.cmpi slt, %add3A_84, %min3A : i32
      %convert_element_type3A_85 = arith.extui %lt3A : i1 to i32
      %cond3A_86 = arith.constant 0 : i32
      %cond3A_87 = arith.cmpi ne, %convert_element_type3A_85, %cond3A_86 : i32
      scf.if %cond3A_87 {
        %dma_wait3A = arith.constant 0 : i32
        %dma_wait3A_112 = arith.constant 0 : i32
        %dma_wait3A_113 = tpu.memref_slice %arg2[%dma_wait3A, %dma_wait3A_112] : memref<10000x128xf32, #tpu.memory_space<hbm>> -> memref<64x128xf32, #tpu.memory_space<hbm>>
        %dma_wait3A_114 = arith.constant 0 : i32
        %dma_wait3A_115 = arith.constant 0 : i32
        %dma_wait3A_116 = tpu.memref_slice %arg2[%dma_wait3A_114, %dma_wait3A_115] : memref<10000x128xf32, #tpu.memory_space<hbm>> -> memref<64x128xf32, #tpu.memory_space<hbm>>
        tpu.wait_dma2 semaphore(%arg14 : memref<!tpu.dma_semaphore, #tpu.memory_space<semaphore_mem>>) src(%dma_wait3A_116 : memref<64x128xf32, #tpu.memory_space<hbm>>) dst(%arg9 : memref<64x128xf32, #tpu.memory_space<vmem>>)
        %add3A_117 = arith.constant 4 : i32
        %add3A_118 = arith.addi %add3A_84, %add3A_117 : i32
        %lt3A_119 = arith.cmpi slt, %add3A_118, %min3A : i32
        %convert_element_type3A_120 = arith.extui %lt3A_119 : i1 to i32
        %cond3A_121 = arith.constant 0 : i32
        %cond3A_122 = arith.cmpi ne, %convert_element_type3A_120, %cond3A_121 : i32
        scf.if %cond3A_122 {
          %add3A_143 = arith.addi %mul3A_2, %add3A_84 : i32
          %add3A_144 = arith.constant 4 : i32
          %add3A_145 = arith.addi %add3A_143, %add3A_144 : i32
          %dma_start3A = arith.constant 0 : i32
          %dma_start3A_146 = arith.constant 0 : i32
          %dma_start3A_147 = tpu.memref_slice %arg7[%dma_start3A, %dma_start3A_146] : memref<4x64xi32, #tpu.memory_space<vmem>> -> memref<1x64xi32, #tpu.memory_space<vmem>>
          %dma_start3A_148 = tpu.memref_squeeze %dma_start3A_147 : memref<1x64xi32, #tpu.memory_space<vmem>> -> memref<64xi32, #tpu.memory_space<vmem>>
          %dma_start3A_149 = arith.constant 0 : i32
          %dma_start3A_150 = tpu.memref_slice %arg4[%add3A_145, %dma_start3A_149] : memref<5000x64xi32, #tpu.memory_space<hbm>> -> memref<1x64xi32, #tpu.memory_space<hbm>>
          %dma_start3A_151 = tpu.memref_squeeze %dma_start3A_150 : memref<1x64xi32, #tpu.memory_space<hbm>> -> memref<64xi32, #tpu.memory_space<hbm>>
          %dma_start3A_152 = arith.constant 0 : i32
          %dma_start3A_153 = tpu.memref_slice %arg7[%dma_start3A, %dma_start3A_152] : memref<4x64xi32, #tpu.memory_space<vmem>> -> memref<1x64xi32, #tpu.memory_space<vmem>>
          %dma_start3A_154 = tpu.memref_squeeze %dma_start3A_153 : memref<1x64xi32, #tpu.memory_space<vmem>> -> memref<64xi32, #tpu.memory_space<vmem>>
          %dma_start3A_155 = arith.constant 0 : i32
          %dma_start3A_156 = tpu.memref_slice %arg4[%add3A_145, %dma_start3A_155] : memref<5000x64xi32, #tpu.memory_space<hbm>> -> memref<1x64xi32, #tpu.memory_space<hbm>>
          %dma_start3A_157 = tpu.memref_squeeze %dma_start3A_156 : memref<1x64xi32, #tpu.memory_space<hbm>> -> memref<64xi32, #tpu.memory_space<hbm>>
          tpu.enqueue_dma source(%dma_start3A_157 : memref<64xi32, #tpu.memory_space<hbm>>) target(%dma_start3A_154 : memref<64xi32, #tpu.memory_space<vmem>>) target_semaphore(%arg22 : memref<!tpu.dma_semaphore, #tpu.memory_space<semaphore_mem>>)
        } else {
        }
        %dma_wait3A_123 = arith.constant 0 : i32
        %dma_wait3A_124 = arith.constant 0 : i32
        %dma_wait3A_125 = arith.constant 0 : i32
        %dma_wait3A_126 = tpu.memref_slice %arg8[%dma_wait3A_124, %dma_wait3A_125] : memref<4x64xi32, #tpu.memory_space<vmem>> -> memref<1x64xi32, #tpu.memory_space<vmem>>
        %dma_wait3A_127 = tpu.memref_squeeze %dma_wait3A_126 : memref<1x64xi32, #tpu.memory_space<vmem>> -> memref<64xi32, #tpu.memory_space<vmem>>
        %dma_wait3A_128 = arith.constant 0 : i32
        %dma_wait3A_129 = tpu.memref_slice %arg3[%dma_wait3A_123, %dma_wait3A_128] : memref<5000x64xi32, #tpu.memory_space<hbm>> -> memref<1x64xi32, #tpu.memory_space<hbm>>
        %dma_wait3A_130 = tpu.memref_squeeze %dma_wait3A_129 : memref<1x64xi32, #tpu.memory_space<hbm>> -> memref<64xi32, #tpu.memory_space<hbm>>
        %dma_wait3A_131 = arith.constant 0 : i32
        %dma_wait3A_132 = tpu.memref_slice %arg8[%dma_wait3A_124, %dma_wait3A_131] : memref<4x64xi32, #tpu.memory_space<vmem>> -> memref<1x64xi32, #tpu.memory_space<vmem>>
        %dma_wait3A_133 = tpu.memref_squeeze %dma_wait3A_132 : memref<1x64xi32, #tpu.memory_space<vmem>> -> memref<64xi32, #tpu.memory_space<vmem>>
        %dma_wait3A_134 = arith.constant 0 : i32
        %dma_wait3A_135 = tpu.memref_slice %arg3[%dma_wait3A_123, %dma_wait3A_134] : memref<5000x64xi32, #tpu.memory_space<hbm>> -> memref<1x64xi32, #tpu.memory_space<hbm>>
        %dma_wait3A_136 = tpu.memref_squeeze %dma_wait3A_135 : memref<1x64xi32, #tpu.memory_space<hbm>> -> memref<64xi32, #tpu.memory_space<hbm>>
        tpu.wait_dma2 semaphore(%arg18 : memref<!tpu.dma_semaphore, #tpu.memory_space<semaphore_mem>>) src(%dma_wait3A_136 : memref<64xi32, #tpu.memory_space<hbm>>) dst(%dma_wait3A_133 : memref<64xi32, #tpu.memory_space<vmem>>)
        %run_scoped3A = arith.constant 0 : i32
        "tpu.region"() ({
          %run_scoped3A_143 = tpu.sem_alloc : memref<!tpu.dma_semaphore, #tpu.memory_space<semaphore_mem>>
          %dma_start3A = arith.constant 0 : i32
          %dma_start3A_144 = tpu.memref_slice %arg8[%run_scoped3A, %dma_start3A] : memref<4x64xi32, #tpu.memory_space<vmem>> -> memref<1x64xi32, #tpu.memory_space<vmem>>
          %dma_start3A_145 = tpu.memref_squeeze %dma_start3A_144 : memref<1x64xi32, #tpu.memory_space<vmem>> -> memref<64xi32, #tpu.memory_space<vmem>>
          %dma_start3A_146 = arith.constant 0 : i32
          %dma_start3A_147 = arith.constant 0 : i32
          %dma_start3A_148 = tpu.memref_slice %arg13[%dma_start3A_146, %dma_start3A_147] : memref<10112x128xf32, #tpu.memory_space<vmem_shared>> -> memref<10112x128xf32, #tpu.memory_space<vmem_shared>>
          tpu.enqueue_indirect_dma source(%arg9 : memref<64x128xf32, #tpu.memory_space<vmem>>) target(%dma_start3A_148 : memref<10112x128xf32, #tpu.memory_space<vmem_shared>>) offsets(%dma_start3A_145 : memref<64xi32, #tpu.memory_space<vmem>>) semaphore(%run_scoped3A_143 : memref<!tpu.dma_semaphore, #tpu.memory_space<semaphore_mem>>) {add = true}
          %dma_wait3A_149 = arith.constant 0 : i32
          %dma_wait3A_150 = tpu.memref_slice %arg8[%run_scoped3A, %dma_wait3A_149] : memref<4x64xi32, #tpu.memory_space<vmem>> -> memref<1x64xi32, #tpu.memory_space<vmem>>
          %dma_wait3A_151 = tpu.memref_squeeze %dma_wait3A_150 : memref<1x64xi32, #tpu.memory_space<vmem>> -> memref<64xi32, #tpu.memory_space<vmem>>
          %dma_wait3A_152 = arith.constant 0 : i32
          %dma_wait3A_153 = arith.constant 0 : i32
          %dma_wait3A_154 = tpu.memref_slice %arg13[%dma_wait3A_152, %dma_wait3A_153] : memref<10112x128xf32, #tpu.memory_space<vmem_shared>> -> memref<10112x128xf32, #tpu.memory_space<vmem_shared>>
          tpu.wait_indirect_dma semaphore(%run_scoped3A_143 : memref<!tpu.dma_semaphore, #tpu.memory_space<semaphore_mem>>) src(%arg9 : memref<64x128xf32, #tpu.memory_space<vmem>>) dst(%dma_wait3A_154 : memref<10112x128xf32, #tpu.memory_space<vmem_shared>>)
          tpu.yield
        }) : () -> ()
        %add3A_137 = arith.constant 4 : i32
        %add3A_138 = arith.addi %add3A_84, %add3A_137 : i32
        %lt3A_139 = arith.cmpi slt, %add3A_138, %min3A : i32
        %convert_element_type3A_140 = arith.extui %lt3A_139 : i1 to i32
        %cond3A_141 = arith.constant 0 : i32
        %cond3A_142 = arith.cmpi ne, %convert_element_type3A_140, %cond3A_141 : i32
        scf.if %cond3A_142 {
          %add3A_143 = arith.addi %mul3A_2, %add3A_84 : i32
          %add3A_144 = arith.constant 4 : i32
          %add3A_145 = arith.addi %add3A_143, %add3A_144 : i32
          %dma_start3A = arith.constant 0 : i32
          %dma_start3A_146 = arith.constant 0 : i32
          %dma_start3A_147 = tpu.memref_slice %arg8[%dma_start3A, %dma_start3A_146] : memref<4x64xi32, #tpu.memory_space<vmem>> -> memref<1x64xi32, #tpu.memory_space<vmem>>
          %dma_start3A_148 = tpu.memref_squeeze %dma_start3A_147 : memref<1x64xi32, #tpu.memory_space<vmem>> -> memref<64xi32, #tpu.memory_space<vmem>>
          %dma_start3A_149 = arith.constant 0 : i32
          %dma_start3A_150 = tpu.memref_slice %arg3[%add3A_145, %dma_start3A_149] : memref<5000x64xi32, #tpu.memory_space<hbm>> -> memref<1x64xi32, #tpu.memory_space<hbm>>
          %dma_start3A_151 = tpu.memref_squeeze %dma_start3A_150 : memref<1x64xi32, #tpu.memory_space<hbm>> -> memref<64xi32, #tpu.memory_space<hbm>>
          %dma_start3A_152 = arith.constant 0 : i32
          %dma_start3A_153 = tpu.memref_slice %arg8[%dma_start3A, %dma_start3A_152] : memref<4x64xi32, #tpu.memory_space<vmem>> -> memref<1x64xi32, #tpu.memory_space<vmem>>
          %dma_start3A_154 = tpu.memref_squeeze %dma_start3A_153 : memref<1x64xi32, #tpu.memory_space<vmem>> -> memref<64xi32, #tpu.memory_space<vmem>>
          %dma_start3A_155 = arith.constant 0 : i32
          %dma_start3A_156 = tpu.memref_slice %arg3[%add3A_145, %dma_start3A_155] : memref<5000x64xi32, #tpu.memory_space<hbm>> -> memref<1x64xi32, #tpu.memory_space<hbm>>
          %dma_start3A_157 = tpu.memref_squeeze %dma_start3A_156 : memref<1x64xi32, #tpu.memory_space<hbm>> -> memref<64xi32, #tpu.memory_space<hbm>>
          tpu.enqueue_dma source(%dma_start3A_157 : memref<64xi32, #tpu.memory_space<hbm>>) target(%dma_start3A_154 : memref<64xi32, #tpu.memory_space<vmem>>) target_semaphore(%arg18 : memref<!tpu.dma_semaphore, #tpu.memory_space<semaphore_mem>>)
          %dma_wait3A_158 = arith.constant 0 : i32
          %dma_wait3A_159 = arith.constant 0 : i32
          %dma_wait3A_160 = arith.constant 0 : i32
          %dma_wait3A_161 = tpu.memref_slice %arg7[%dma_wait3A_159, %dma_wait3A_160] : memref<4x64xi32, #tpu.memory_space<vmem>> -> memref<1x64xi32, #tpu.memory_space<vmem>>
          %dma_wait3A_162 = tpu.memref_squeeze %dma_wait3A_161 : memref<1x64xi32, #tpu.memory_space<vmem>> -> memref<64xi32, #tpu.memory_space<vmem>>
          %dma_wait3A_163 = arith.constant 0 : i32
          %dma_wait3A_164 = tpu.memref_slice %arg4[%dma_wait3A_158, %dma_wait3A_163] : memref<5000x64xi32, #tpu.memory_space<hbm>> -> memref<1x64xi32, #tpu.memory_space<hbm>>
          %dma_wait3A_165 = tpu.memref_squeeze %dma_wait3A_164 : memref<1x64xi32, #tpu.memory_space<hbm>> -> memref<64xi32, #tpu.memory_space<hbm>>
          %dma_wait3A_166 = arith.constant 0 : i32
          %dma_wait3A_167 = tpu.memref_slice %arg7[%dma_wait3A_159, %dma_wait3A_166] : memref<4x64xi32, #tpu.memory_space<vmem>> -> memref<1x64xi32, #tpu.memory_space<vmem>>
          %dma_wait3A_168 = tpu.memref_squeeze %dma_wait3A_167 : memref<1x64xi32, #tpu.memory_space<vmem>> -> memref<64xi32, #tpu.memory_space<vmem>>
          %dma_wait3A_169 = arith.constant 0 : i32
          %dma_wait3A_170 = tpu.memref_slice %arg4[%dma_wait3A_158, %dma_wait3A_169] : memref<5000x64xi32, #tpu.memory_space<hbm>> -> memref<1x64xi32, #tpu.memory_space<hbm>>
          %dma_wait3A_171 = tpu.memref_squeeze %dma_wait3A_170 : memref<1x64xi32, #tpu.memory_space<hbm>> -> memref<64xi32, #tpu.memory_space<hbm>>
          tpu.wait_dma2 semaphore(%arg22 : memref<!tpu.dma_semaphore, #tpu.memory_space<semaphore_mem>>) src(%dma_wait3A_171 : memref<64xi32, #tpu.memory_space<hbm>>) dst(%dma_wait3A_168 : memref<64xi32, #tpu.memory_space<vmem>>)
          %dma_start3A_172 = arith.constant 0 : i32
          %dma_start3A_173 = arith.constant 0 : i32
          %dma_start3A_174 = tpu.memref_slice %arg7[%dma_start3A_172, %dma_start3A_173] : memref<4x64xi32, #tpu.memory_space<vmem>> -> memref<1x64xi32, #tpu.memory_space<vmem>>
          %dma_start3A_175 = tpu.memref_squeeze %dma_start3A_174 : memref<1x64xi32, #tpu.memory_space<vmem>> -> memref<64xi32, #tpu.memory_space<vmem>>
          %dma_start3A_176 = arith.constant 0 : i32
          %dma_start3A_177 = arith.constant 0 : i32
          %dma_start3A_178 = tpu.memref_slice %arg2[%dma_start3A_176, %dma_start3A_177] : memref<10000x128xf32, #tpu.memory_space<hbm>> -> memref<10000x128xf32, #tpu.memory_space<hbm>>
          tpu.enqueue_indirect_dma source(%dma_start3A_178 : memref<10000x128xf32, #tpu.memory_space<hbm>>) target(%arg9 : memref<64x128xf32, #tpu.memory_space<vmem>>) offsets(%dma_start3A_175 : memref<64xi32, #tpu.memory_space<vmem>>) semaphore(%arg14 : memref<!tpu.dma_semaphore, #tpu.memory_space<semaphore_mem>>)
        } else {
        }
      } else {
      }
      %mul3A_88 = arith.constant 4 : i32
      %mul3A_89 = arith.muli %while3A_80, %mul3A_88 : i32
      %add3A_90 = arith.constant 1 : i32
      %add3A_91 = arith.addi %mul3A_89, %add3A_90 : i32
      %lt3A_92 = arith.cmpi slt, %add3A_91, %min3A : i32
      %convert_element_type3A_93 = arith.extui %lt3A_92 : i1 to i32
      %cond3A_94 = arith.constant 0 : i32
      %cond3A_95 = arith.cmpi ne, %convert_element_type3A_93, %cond3A_94 : i32
      scf.if %cond3A_95 {
        %dma_wait3A = arith.constant 0 : i32
        %dma_wait3A_112 = arith.constant 0 : i32
        %dma_wait3A_113 = tpu.memref_slice %arg2[%dma_wait3A, %dma_wait3A_112] : memref<10000x128xf32, #tpu.memory_space<hbm>> -> memref<64x128xf32, #tpu.memory_space<hbm>>
        %dma_wait3A_114 = arith.constant 0 : i32
        %dma_wait3A_115 = arith.constant 0 : i32
        %dma_wait3A_116 = tpu.memref_slice %arg2[%dma_wait3A_114, %dma_wait3A_115] : memref<10000x128xf32, #tpu.memory_space<hbm>> -> memref<64x128xf32, #tpu.memory_space<hbm>>
        tpu.wait_dma2 semaphore(%arg15 : memref<!tpu.dma_semaphore, #tpu.memory_space<semaphore_mem>>) src(%dma_wait3A_116 : memref<64x128xf32, #tpu.memory_space<hbm>>) dst(%arg10 : memref<64x128xf32, #tpu.memory_space<vmem>>)
        %add3A_117 = arith.constant 4 : i32
        %add3A_118 = arith.addi %add3A_91, %add3A_117 : i32
        %lt3A_119 = arith.cmpi slt, %add3A_118, %min3A : i32
        %convert_element_type3A_120 = arith.extui %lt3A_119 : i1 to i32
        %cond3A_121 = arith.constant 0 : i32
        %cond3A_122 = arith.cmpi ne, %convert_element_type3A_120, %cond3A_121 : i32
        scf.if %cond3A_122 {
          %add3A_143 = arith.addi %mul3A_2, %add3A_91 : i32
          %add3A_144 = arith.constant 4 : i32
          %add3A_145 = arith.addi %add3A_143, %add3A_144 : i32
          %dma_start3A = arith.constant 1 : i32
          %dma_start3A_146 = arith.constant 0 : i32
          %dma_start3A_147 = tpu.memref_slice %arg7[%dma_start3A, %dma_start3A_146] : memref<4x64xi32, #tpu.memory_space<vmem>> -> memref<1x64xi32, #tpu.memory_space<vmem>>
          %dma_start3A_148 = tpu.memref_squeeze %dma_start3A_147 : memref<1x64xi32, #tpu.memory_space<vmem>> -> memref<64xi32, #tpu.memory_space<vmem>>
          %dma_start3A_149 = arith.constant 0 : i32
          %dma_start3A_150 = tpu.memref_slice %arg4[%add3A_145, %dma_start3A_149] : memref<5000x64xi32, #tpu.memory_space<hbm>> -> memref<1x64xi32, #tpu.memory_space<hbm>>
          %dma_start3A_151 = tpu.memref_squeeze %dma_start3A_150 : memref<1x64xi32, #tpu.memory_space<hbm>> -> memref<64xi32, #tpu.memory_space<hbm>>
          %dma_start3A_152 = arith.constant 0 : i32
          %dma_start3A_153 = tpu.memref_slice %arg7[%dma_start3A, %dma_start3A_152] : memref<4x64xi32, #tpu.memory_space<vmem>> -> memref<1x64xi32, #tpu.memory_space<vmem>>
          %dma_start3A_154 = tpu.memref_squeeze %dma_start3A_153 : memref<1x64xi32, #tpu.memory_space<vmem>> -> memref<64xi32, #tpu.memory_space<vmem>>
          %dma_start3A_155 = arith.constant 0 : i32
          %dma_start3A_156 = tpu.memref_slice %arg4[%add3A_145, %dma_start3A_155] : memref<5000x64xi32, #tpu.memory_space<hbm>> -> memref<1x64xi32, #tpu.memory_space<hbm>>
          %dma_start3A_157 = tpu.memref_squeeze %dma_start3A_156 : memref<1x64xi32, #tpu.memory_space<hbm>> -> memref<64xi32, #tpu.memory_space<hbm>>
          tpu.enqueue_dma source(%dma_start3A_157 : memref<64xi32, #tpu.memory_space<hbm>>) target(%dma_start3A_154 : memref<64xi32, #tpu.memory_space<vmem>>) target_semaphore(%arg23 : memref<!tpu.dma_semaphore, #tpu.memory_space<semaphore_mem>>)
        } else {
        }
        %dma_wait3A_123 = arith.constant 0 : i32
        %dma_wait3A_124 = arith.constant 1 : i32
        %dma_wait3A_125 = arith.constant 0 : i32
        %dma_wait3A_126 = tpu.memref_slice %arg8[%dma_wait3A_124, %dma_wait3A_125] : memref<4x64xi32, #tpu.memory_space<vmem>> -> memref<1x64xi32, #tpu.memory_space<vmem>>
        %dma_wait3A_127 = tpu.memref_squeeze %dma_wait3A_126 : memref<1x64xi32, #tpu.memory_space<vmem>> -> memref<64xi32, #tpu.memory_space<vmem>>
        %dma_wait3A_128 = arith.constant 0 : i32
        %dma_wait3A_129 = tpu.memref_slice %arg3[%dma_wait3A_123, %dma_wait3A_128] : memref<5000x64xi32, #tpu.memory_space<hbm>> -> memref<1x64xi32, #tpu.memory_space<hbm>>
        %dma_wait3A_130 = tpu.memref_squeeze %dma_wait3A_129 : memref<1x64xi32, #tpu.memory_space<hbm>> -> memref<64xi32, #tpu.memory_space<hbm>>
        %dma_wait3A_131 = arith.constant 0 : i32
        %dma_wait3A_132 = tpu.memref_slice %arg8[%dma_wait3A_124, %dma_wait3A_131] : memref<4x64xi32, #tpu.memory_space<vmem>> -> memref<1x64xi32, #tpu.memory_space<vmem>>
        %dma_wait3A_133 = tpu.memref_squeeze %dma_wait3A_132 : memref<1x64xi32, #tpu.memory_space<vmem>> -> memref<64xi32, #tpu.memory_space<vmem>>
        %dma_wait3A_134 = arith.constant 0 : i32
        %dma_wait3A_135 = tpu.memref_slice %arg3[%dma_wait3A_123, %dma_wait3A_134] : memref<5000x64xi32, #tpu.memory_space<hbm>> -> memref<1x64xi32, #tpu.memory_space<hbm>>
        %dma_wait3A_136 = tpu.memref_squeeze %dma_wait3A_135 : memref<1x64xi32, #tpu.memory_space<hbm>> -> memref<64xi32, #tpu.memory_space<hbm>>
        tpu.wait_dma2 semaphore(%arg19 : memref<!tpu.dma_semaphore, #tpu.memory_space<semaphore_mem>>) src(%dma_wait3A_136 : memref<64xi32, #tpu.memory_space<hbm>>) dst(%dma_wait3A_133 : memref<64xi32, #tpu.memory_space<vmem>>)
        %run_scoped3A = arith.constant 1 : i32
        "tpu.region"() ({
          %run_scoped3A_143 = tpu.sem_alloc : memref<!tpu.dma_semaphore, #tpu.memory_space<semaphore_mem>>
          %dma_start3A = arith.constant 0 : i32
          %dma_start3A_144 = tpu.memref_slice %arg8[%run_scoped3A, %dma_start3A] : memref<4x64xi32, #tpu.memory_space<vmem>> -> memref<1x64xi32, #tpu.memory_space<vmem>>
          %dma_start3A_145 = tpu.memref_squeeze %dma_start3A_144 : memref<1x64xi32, #tpu.memory_space<vmem>> -> memref<64xi32, #tpu.memory_space<vmem>>
          %dma_start3A_146 = arith.constant 0 : i32
          %dma_start3A_147 = arith.constant 0 : i32
          %dma_start3A_148 = tpu.memref_slice %arg13[%dma_start3A_146, %dma_start3A_147] : memref<10112x128xf32, #tpu.memory_space<vmem_shared>> -> memref<10112x128xf32, #tpu.memory_space<vmem_shared>>
          tpu.enqueue_indirect_dma source(%arg10 : memref<64x128xf32, #tpu.memory_space<vmem>>) target(%dma_start3A_148 : memref<10112x128xf32, #tpu.memory_space<vmem_shared>>) offsets(%dma_start3A_145 : memref<64xi32, #tpu.memory_space<vmem>>) semaphore(%run_scoped3A_143 : memref<!tpu.dma_semaphore, #tpu.memory_space<semaphore_mem>>) {add = true}
          %dma_wait3A_149 = arith.constant 0 : i32
          %dma_wait3A_150 = tpu.memref_slice %arg8[%run_scoped3A, %dma_wait3A_149] : memref<4x64xi32, #tpu.memory_space<vmem>> -> memref<1x64xi32, #tpu.memory_space<vmem>>
          %dma_wait3A_151 = tpu.memref_squeeze %dma_wait3A_150 : memref<1x64xi32, #tpu.memory_space<vmem>> -> memref<64xi32, #tpu.memory_space<vmem>>
          %dma_wait3A_152 = arith.constant 0 : i32
          %dma_wait3A_153 = arith.constant 0 : i32
          %dma_wait3A_154 = tpu.memref_slice %arg13[%dma_wait3A_152, %dma_wait3A_153] : memref<10112x128xf32, #tpu.memory_space<vmem_shared>> -> memref<10112x128xf32, #tpu.memory_space<vmem_shared>>
          tpu.wait_indirect_dma semaphore(%run_scoped3A_143 : memref<!tpu.dma_semaphore, #tpu.memory_space<semaphore_mem>>) src(%arg10 : memref<64x128xf32, #tpu.memory_space<vmem>>) dst(%dma_wait3A_154 : memref<10112x128xf32, #tpu.memory_space<vmem_shared>>)
          tpu.yield
        }) : () -> ()
        %add3A_137 = arith.constant 4 : i32
        %add3A_138 = arith.addi %add3A_91, %add3A_137 : i32
        %lt3A_139 = arith.cmpi slt, %add3A_138, %min3A : i32
        %convert_element_type3A_140 = arith.extui %lt3A_139 : i1 to i32
        %cond3A_141 = arith.constant 0 : i32
        %cond3A_142 = arith.cmpi ne, %convert_element_type3A_140, %cond3A_141 : i32
        scf.if %cond3A_142 {
          %add3A_143 = arith.addi %mul3A_2, %add3A_91 : i32
          %add3A_144 = arith.constant 4 : i32
          %add3A_145 = arith.addi %add3A_143, %add3A_144 : i32
          %dma_start3A = arith.constant 1 : i32
          %dma_start3A_146 = arith.constant 0 : i32
          %dma_start3A_147 = tpu.memref_slice %arg8[%dma_start3A, %dma_start3A_146] : memref<4x64xi32, #tpu.memory_space<vmem>> -> memref<1x64xi32, #tpu.memory_space<vmem>>
          %dma_start3A_148 = tpu.memref_squeeze %dma_start3A_147 : memref<1x64xi32, #tpu.memory_space<vmem>> -> memref<64xi32, #tpu.memory_space<vmem>>
          %dma_start3A_149 = arith.constant 0 : i32
          %dma_start3A_150 = tpu.memref_slice %arg3[%add3A_145, %dma_start3A_149] : memref<5000x64xi32, #tpu.memory_space<hbm>> -> memref<1x64xi32, #tpu.memory_space<hbm>>
          %dma_start3A_151 = tpu.memref_squeeze %dma_start3A_150 : memref<1x64xi32, #tpu.memory_space<hbm>> -> memref<64xi32, #tpu.memory_space<hbm>>
          %dma_start3A_152 = arith.constant 0 : i32
          %dma_start3A_153 = tpu.memref_slice %arg8[%dma_start3A, %dma_start3A_152] : memref<4x64xi32, #tpu.memory_space<vmem>> -> memref<1x64xi32, #tpu.memory_space<vmem>>
          %dma_start3A_154 = tpu.memref_squeeze %dma_start3A_153 : memref<1x64xi32, #tpu.memory_space<vmem>> -> memref<64xi32, #tpu.memory_space<vmem>>
          %dma_start3A_155 = arith.constant 0 : i32
          %dma_start3A_156 = tpu.memref_slice %arg3[%add3A_145, %dma_start3A_155] : memref<5000x64xi32, #tpu.memory_space<hbm>> -> memref<1x64xi32, #tpu.memory_space<hbm>>
          %dma_start3A_157 = tpu.memref_squeeze %dma_start3A_156 : memref<1x64xi32, #tpu.memory_space<hbm>> -> memref<64xi32, #tpu.memory_space<hbm>>
          tpu.enqueue_dma source(%dma_start3A_157 : memref<64xi32, #tpu.memory_space<hbm>>) target(%dma_start3A_154 : memref<64xi32, #tpu.memory_space<vmem>>) target_semaphore(%arg19 : memref<!tpu.dma_semaphore, #tpu.memory_space<semaphore_mem>>)
          %dma_wait3A_158 = arith.constant 0 : i32
          %dma_wait3A_159 = arith.constant 1 : i32
          %dma_wait3A_160 = arith.constant 0 : i32
          %dma_wait3A_161 = tpu.memref_slice %arg7[%dma_wait3A_159, %dma_wait3A_160] : memref<4x64xi32, #tpu.memory_space<vmem>> -> memref<1x64xi32, #tpu.memory_space<vmem>>
          %dma_wait3A_162 = tpu.memref_squeeze %dma_wait3A_161 : memref<1x64xi32, #tpu.memory_space<vmem>> -> memref<64xi32, #tpu.memory_space<vmem>>
          %dma_wait3A_163 = arith.constant 0 : i32
          %dma_wait3A_164 = tpu.memref_slice %arg4[%dma_wait3A_158, %dma_wait3A_163] : memref<5000x64xi32, #tpu.memory_space<hbm>> -> memref<1x64xi32, #tpu.memory_space<hbm>>
          %dma_wait3A_165 = tpu.memref_squeeze %dma_wait3A_164 : memref<1x64xi32, #tpu.memory_space<hbm>> -> memref<64xi32, #tpu.memory_space<hbm>>
          %dma_wait3A_166 = arith.constant 0 : i32
          %dma_wait3A_167 = tpu.memref_slice %arg7[%dma_wait3A_159, %dma_wait3A_166] : memref<4x64xi32, #tpu.memory_space<vmem>> -> memref<1x64xi32, #tpu.memory_space<vmem>>
          %dma_wait3A_168 = tpu.memref_squeeze %dma_wait3A_167 : memref<1x64xi32, #tpu.memory_space<vmem>> -> memref<64xi32, #tpu.memory_space<vmem>>
          %dma_wait3A_169 = arith.constant 0 : i32
          %dma_wait3A_170 = tpu.memref_slice %arg4[%dma_wait3A_158, %dma_wait3A_169] : memref<5000x64xi32, #tpu.memory_space<hbm>> -> memref<1x64xi32, #tpu.memory_space<hbm>>
          %dma_wait3A_171 = tpu.memref_squeeze %dma_wait3A_170 : memref<1x64xi32, #tpu.memory_space<hbm>> -> memref<64xi32, #tpu.memory_space<hbm>>
          tpu.wait_dma2 semaphore(%arg23 : memref<!tpu.dma_semaphore, #tpu.memory_space<semaphore_mem>>) src(%dma_wait3A_171 : memref<64xi32, #tpu.memory_space<hbm>>) dst(%dma_wait3A_168 : memref<64xi32, #tpu.memory_space<vmem>>)
          %dma_start3A_172 = arith.constant 1 : i32
          %dma_start3A_173 = arith.constant 0 : i32
          %dma_start3A_174 = tpu.memref_slice %arg7[%dma_start3A_172, %dma_start3A_173] : memref<4x64xi32, #tpu.memory_space<vmem>> -> memref<1x64xi32, #tpu.memory_space<vmem>>
          %dma_start3A_175 = tpu.memref_squeeze %dma_start3A_174 : memref<1x64xi32, #tpu.memory_space<vmem>> -> memref<64xi32, #tpu.memory_space<vmem>>
          %dma_start3A_176 = arith.constant 0 : i32
          %dma_start3A_177 = arith.constant 0 : i32
          %dma_start3A_178 = tpu.memref_slice %arg2[%dma_start3A_176, %dma_start3A_177] : memref<10000x128xf32, #tpu.memory_space<hbm>> -> memref<10000x128xf32, #tpu.memory_space<hbm>>
          tpu.enqueue_indirect_dma source(%dma_start3A_178 : memref<10000x128xf32, #tpu.memory_space<hbm>>) target(%arg10 : memref<64x128xf32, #tpu.memory_space<vmem>>) offsets(%dma_start3A_175 : memref<64xi32, #tpu.memory_space<vmem>>) semaphore(%arg15 : memref<!tpu.dma_semaphore, #tpu.memory_space<semaphore_mem>>)
        } else {
        }
      } else {
      }
      %mul3A_96 = arith.constant 4 : i32
      %mul3A_97 = arith.muli %while3A_80, %mul3A_96 : i32
      %add3A_98 = arith.constant 2 : i32
      %add3A_99 = arith.addi %mul3A_97, %add3A_98 : i32
      %lt3A_100 = arith.cmpi slt, %add3A_99, %min3A : i32
      %convert_element_type3A_101 = arith.extui %lt3A_100 : i1 to i32
      %cond3A_102 = arith.constant 0 : i32
      %cond3A_103 = arith.cmpi ne, %convert_element_type3A_101, %cond3A_102 : i32
      scf.if %cond3A_103 {
        %dma_wait3A = arith.constant 0 : i32
        %dma_wait3A_112 = arith.constant 0 : i32
        %dma_wait3A_113 = tpu.memref_slice %arg2[%dma_wait3A, %dma_wait3A_112] : memref<10000x128xf32, #tpu.memory_space<hbm>> -> memref<64x128xf32, #tpu.memory_space<hbm>>
        %dma_wait3A_114 = arith.constant 0 : i32
        %dma_wait3A_115 = arith.constant 0 : i32
        %dma_wait3A_116 = tpu.memref_slice %arg2[%dma_wait3A_114, %dma_wait3A_115] : memref<10000x128xf32, #tpu.memory_space<hbm>> -> memref<64x128xf32, #tpu.memory_space<hbm>>
        tpu.wait_dma2 semaphore(%arg16 : memref<!tpu.dma_semaphore, #tpu.memory_space<semaphore_mem>>) src(%dma_wait3A_116 : memref<64x128xf32, #tpu.memory_space<hbm>>) dst(%arg11 : memref<64x128xf32, #tpu.memory_space<vmem>>)
        %add3A_117 = arith.constant 4 : i32
        %add3A_118 = arith.addi %add3A_99, %add3A_117 : i32
        %lt3A_119 = arith.cmpi slt, %add3A_118, %min3A : i32
        %convert_element_type3A_120 = arith.extui %lt3A_119 : i1 to i32
        %cond3A_121 = arith.constant 0 : i32
        %cond3A_122 = arith.cmpi ne, %convert_element_type3A_120, %cond3A_121 : i32
        scf.if %cond3A_122 {
          %add3A_143 = arith.addi %mul3A_2, %add3A_99 : i32
          %add3A_144 = arith.constant 4 : i32
          %add3A_145 = arith.addi %add3A_143, %add3A_144 : i32
          %dma_start3A = arith.constant 2 : i32
          %dma_start3A_146 = arith.constant 0 : i32
          %dma_start3A_147 = tpu.memref_slice %arg7[%dma_start3A, %dma_start3A_146] : memref<4x64xi32, #tpu.memory_space<vmem>> -> memref<1x64xi32, #tpu.memory_space<vmem>>
          %dma_start3A_148 = tpu.memref_squeeze %dma_start3A_147 : memref<1x64xi32, #tpu.memory_space<vmem>> -> memref<64xi32, #tpu.memory_space<vmem>>
          %dma_start3A_149 = arith.constant 0 : i32
          %dma_start3A_150 = tpu.memref_slice %arg4[%add3A_145, %dma_start3A_149] : memref<5000x64xi32, #tpu.memory_space<hbm>> -> memref<1x64xi32, #tpu.memory_space<hbm>>
          %dma_start3A_151 = tpu.memref_squeeze %dma_start3A_150 : memref<1x64xi32, #tpu.memory_space<hbm>> -> memref<64xi32, #tpu.memory_space<hbm>>
          %dma_start3A_152 = arith.constant 0 : i32
          %dma_start3A_153 = tpu.memref_slice %arg7[%dma_start3A, %dma_start3A_152] : memref<4x64xi32, #tpu.memory_space<vmem>> -> memref<1x64xi32, #tpu.memory_space<vmem>>
          %dma_start3A_154 = tpu.memref_squeeze %dma_start3A_153 : memref<1x64xi32, #tpu.memory_space<vmem>> -> memref<64xi32, #tpu.memory_space<vmem>>
          %dma_start3A_155 = arith.constant 0 : i32
          %dma_start3A_156 = tpu.memref_slice %arg4[%add3A_145, %dma_start3A_155] : memref<5000x64xi32, #tpu.memory_space<hbm>> -> memref<1x64xi32, #tpu.memory_space<hbm>>
          %dma_start3A_157 = tpu.memref_squeeze %dma_start3A_156 : memref<1x64xi32, #tpu.memory_space<hbm>> -> memref<64xi32, #tpu.memory_space<hbm>>
          tpu.enqueue_dma source(%dma_start3A_157 : memref<64xi32, #tpu.memory_space<hbm>>) target(%dma_start3A_154 : memref<64xi32, #tpu.memory_space<vmem>>) target_semaphore(%arg24 : memref<!tpu.dma_semaphore, #tpu.memory_space<semaphore_mem>>)
        } else {
        }
        %dma_wait3A_123 = arith.constant 0 : i32
        %dma_wait3A_124 = arith.constant 2 : i32
        %dma_wait3A_125 = arith.constant 0 : i32
        %dma_wait3A_126 = tpu.memref_slice %arg8[%dma_wait3A_124, %dma_wait3A_125] : memref<4x64xi32, #tpu.memory_space<vmem>> -> memref<1x64xi32, #tpu.memory_space<vmem>>
        %dma_wait3A_127 = tpu.memref_squeeze %dma_wait3A_126 : memref<1x64xi32, #tpu.memory_space<vmem>> -> memref<64xi32, #tpu.memory_space<vmem>>
        %dma_wait3A_128 = arith.constant 0 : i32
        %dma_wait3A_129 = tpu.memref_slice %arg3[%dma_wait3A_123, %dma_wait3A_128] : memref<5000x64xi32, #tpu.memory_space<hbm>> -> memref<1x64xi32, #tpu.memory_space<hbm>>
        %dma_wait3A_130 = tpu.memref_squeeze %dma_wait3A_129 : memref<1x64xi32, #tpu.memory_space<hbm>> -> memref<64xi32, #tpu.memory_space<hbm>>
        %dma_wait3A_131 = arith.constant 0 : i32
        %dma_wait3A_132 = tpu.memref_slice %arg8[%dma_wait3A_124, %dma_wait3A_131] : memref<4x64xi32, #tpu.memory_space<vmem>> -> memref<1x64xi32, #tpu.memory_space<vmem>>
        %dma_wait3A_133 = tpu.memref_squeeze %dma_wait3A_132 : memref<1x64xi32, #tpu.memory_space<vmem>> -> memref<64xi32, #tpu.memory_space<vmem>>
        %dma_wait3A_134 = arith.constant 0 : i32
        %dma_wait3A_135 = tpu.memref_slice %arg3[%dma_wait3A_123, %dma_wait3A_134] : memref<5000x64xi32, #tpu.memory_space<hbm>> -> memref<1x64xi32, #tpu.memory_space<hbm>>
        %dma_wait3A_136 = tpu.memref_squeeze %dma_wait3A_135 : memref<1x64xi32, #tpu.memory_space<hbm>> -> memref<64xi32, #tpu.memory_space<hbm>>
        tpu.wait_dma2 semaphore(%arg20 : memref<!tpu.dma_semaphore, #tpu.memory_space<semaphore_mem>>) src(%dma_wait3A_136 : memref<64xi32, #tpu.memory_space<hbm>>) dst(%dma_wait3A_133 : memref<64xi32, #tpu.memory_space<vmem>>)
        %run_scoped3A = arith.constant 2 : i32
        "tpu.region"() ({
          %run_scoped3A_143 = tpu.sem_alloc : memref<!tpu.dma_semaphore, #tpu.memory_space<semaphore_mem>>
          %dma_start3A = arith.constant 0 : i32
          %dma_start3A_144 = tpu.memref_slice %arg8[%run_scoped3A, %dma_start3A] : memref<4x64xi32, #tpu.memory_space<vmem>> -> memref<1x64xi32, #tpu.memory_space<vmem>>
          %dma_start3A_145 = tpu.memref_squeeze %dma_start3A_144 : memref<1x64xi32, #tpu.memory_space<vmem>> -> memref<64xi32, #tpu.memory_space<vmem>>
          %dma_start3A_146 = arith.constant 0 : i32
          %dma_start3A_147 = arith.constant 0 : i32
          %dma_start3A_148 = tpu.memref_slice %arg13[%dma_start3A_146, %dma_start3A_147] : memref<10112x128xf32, #tpu.memory_space<vmem_shared>> -> memref<10112x128xf32, #tpu.memory_space<vmem_shared>>
          tpu.enqueue_indirect_dma source(%arg11 : memref<64x128xf32, #tpu.memory_space<vmem>>) target(%dma_start3A_148 : memref<10112x128xf32, #tpu.memory_space<vmem_shared>>) offsets(%dma_start3A_145 : memref<64xi32, #tpu.memory_space<vmem>>) semaphore(%run_scoped3A_143 : memref<!tpu.dma_semaphore, #tpu.memory_space<semaphore_mem>>) {add = true}
          %dma_wait3A_149 = arith.constant 0 : i32
          %dma_wait3A_150 = tpu.memref_slice %arg8[%run_scoped3A, %dma_wait3A_149] : memref<4x64xi32, #tpu.memory_space<vmem>> -> memref<1x64xi32, #tpu.memory_space<vmem>>
          %dma_wait3A_151 = tpu.memref_squeeze %dma_wait3A_150 : memref<1x64xi32, #tpu.memory_space<vmem>> -> memref<64xi32, #tpu.memory_space<vmem>>
          %dma_wait3A_152 = arith.constant 0 : i32
          %dma_wait3A_153 = arith.constant 0 : i32
          %dma_wait3A_154 = tpu.memref_slice %arg13[%dma_wait3A_152, %dma_wait3A_153] : memref<10112x128xf32, #tpu.memory_space<vmem_shared>> -> memref<10112x128xf32, #tpu.memory_space<vmem_shared>>
          tpu.wait_indirect_dma semaphore(%run_scoped3A_143 : memref<!tpu.dma_semaphore, #tpu.memory_space<semaphore_mem>>) src(%arg11 : memref<64x128xf32, #tpu.memory_space<vmem>>) dst(%dma_wait3A_154 : memref<10112x128xf32, #tpu.memory_space<vmem_shared>>)
          tpu.yield
        }) : () -> ()
        %add3A_137 = arith.constant 4 : i32
        %add3A_138 = arith.addi %add3A_99, %add3A_137 : i32
        %lt3A_139 = arith.cmpi slt, %add3A_138, %min3A : i32
        %convert_element_type3A_140 = arith.extui %lt3A_139 : i1 to i32
        %cond3A_141 = arith.constant 0 : i32
        %cond3A_142 = arith.cmpi ne, %convert_element_type3A_140, %cond3A_141 : i32
        scf.if %cond3A_142 {
          %add3A_143 = arith.addi %mul3A_2, %add3A_99 : i32
          %add3A_144 = arith.constant 4 : i32
          %add3A_145 = arith.addi %add3A_143, %add3A_144 : i32
          %dma_start3A = arith.constant 2 : i32
          %dma_start3A_146 = arith.constant 0 : i32
          %dma_start3A_147 = tpu.memref_slice %arg8[%dma_start3A, %dma_start3A_146] : memref<4x64xi32, #tpu.memory_space<vmem>> -> memref<1x64xi32, #tpu.memory_space<vmem>>
          %dma_start3A_148 = tpu.memref_squeeze %dma_start3A_147 : memref<1x64xi32, #tpu.memory_space<vmem>> -> memref<64xi32, #tpu.memory_space<vmem>>
          %dma_start3A_149 = arith.constant 0 : i32
          %dma_start3A_150 = tpu.memref_slice %arg3[%add3A_145, %dma_start3A_149] : memref<5000x64xi32, #tpu.memory_space<hbm>> -> memref<1x64xi32, #tpu.memory_space<hbm>>
          %dma_start3A_151 = tpu.memref_squeeze %dma_start3A_150 : memref<1x64xi32, #tpu.memory_space<hbm>> -> memref<64xi32, #tpu.memory_space<hbm>>
          %dma_start3A_152 = arith.constant 0 : i32
          %dma_start3A_153 = tpu.memref_slice %arg8[%dma_start3A, %dma_start3A_152] : memref<4x64xi32, #tpu.memory_space<vmem>> -> memref<1x64xi32, #tpu.memory_space<vmem>>
          %dma_start3A_154 = tpu.memref_squeeze %dma_start3A_153 : memref<1x64xi32, #tpu.memory_space<vmem>> -> memref<64xi32, #tpu.memory_space<vmem>>
          %dma_start3A_155 = arith.constant 0 : i32
          %dma_start3A_156 = tpu.memref_slice %arg3[%add3A_145, %dma_start3A_155] : memref<5000x64xi32, #tpu.memory_space<hbm>> -> memref<1x64xi32, #tpu.memory_space<hbm>>
          %dma_start3A_157 = tpu.memref_squeeze %dma_start3A_156 : memref<1x64xi32, #tpu.memory_space<hbm>> -> memref<64xi32, #tpu.memory_space<hbm>>
          tpu.enqueue_dma source(%dma_start3A_157 : memref<64xi32, #tpu.memory_space<hbm>>) target(%dma_start3A_154 : memref<64xi32, #tpu.memory_space<vmem>>) target_semaphore(%arg20 : memref<!tpu.dma_semaphore, #tpu.memory_space<semaphore_mem>>)
          %dma_wait3A_158 = arith.constant 0 : i32
          %dma_wait3A_159 = arith.constant 2 : i32
          %dma_wait3A_160 = arith.constant 0 : i32
          %dma_wait3A_161 = tpu.memref_slice %arg7[%dma_wait3A_159, %dma_wait3A_160] : memref<4x64xi32, #tpu.memory_space<vmem>> -> memref<1x64xi32, #tpu.memory_space<vmem>>
          %dma_wait3A_162 = tpu.memref_squeeze %dma_wait3A_161 : memref<1x64xi32, #tpu.memory_space<vmem>> -> memref<64xi32, #tpu.memory_space<vmem>>
          %dma_wait3A_163 = arith.constant 0 : i32
          %dma_wait3A_164 = tpu.memref_slice %arg4[%dma_wait3A_158, %dma_wait3A_163] : memref<5000x64xi32, #tpu.memory_space<hbm>> -> memref<1x64xi32, #tpu.memory_space<hbm>>
          %dma_wait3A_165 = tpu.memref_squeeze %dma_wait3A_164 : memref<1x64xi32, #tpu.memory_space<hbm>> -> memref<64xi32, #tpu.memory_space<hbm>>
          %dma_wait3A_166 = arith.constant 0 : i32
          %dma_wait3A_167 = tpu.memref_slice %arg7[%dma_wait3A_159, %dma_wait3A_166] : memref<4x64xi32, #tpu.memory_space<vmem>> -> memref<1x64xi32, #tpu.memory_space<vmem>>
          %dma_wait3A_168 = tpu.memref_squeeze %dma_wait3A_167 : memref<1x64xi32, #tpu.memory_space<vmem>> -> memref<64xi32, #tpu.memory_space<vmem>>
          %dma_wait3A_169 = arith.constant 0 : i32
          %dma_wait3A_170 = tpu.memref_slice %arg4[%dma_wait3A_158, %dma_wait3A_169] : memref<5000x64xi32, #tpu.memory_space<hbm>> -> memref<1x64xi32, #tpu.memory_space<hbm>>
          %dma_wait3A_171 = tpu.memref_squeeze %dma_wait3A_170 : memref<1x64xi32, #tpu.memory_space<hbm>> -> memref<64xi32, #tpu.memory_space<hbm>>
          tpu.wait_dma2 semaphore(%arg24 : memref<!tpu.dma_semaphore, #tpu.memory_space<semaphore_mem>>) src(%dma_wait3A_171 : memref<64xi32, #tpu.memory_space<hbm>>) dst(%dma_wait3A_168 : memref<64xi32, #tpu.memory_space<vmem>>)
          %dma_start3A_172 = arith.constant 2 : i32
          %dma_start3A_173 = arith.constant 0 : i32
          %dma_start3A_174 = tpu.memref_slice %arg7[%dma_start3A_172, %dma_start3A_173] : memref<4x64xi32, #tpu.memory_space<vmem>> -> memref<1x64xi32, #tpu.memory_space<vmem>>
          %dma_start3A_175 = tpu.memref_squeeze %dma_start3A_174 : memref<1x64xi32, #tpu.memory_space<vmem>> -> memref<64xi32, #tpu.memory_space<vmem>>
          %dma_start3A_176 = arith.constant 0 : i32
          %dma_start3A_177 = arith.constant 0 : i32
          %dma_start3A_178 = tpu.memref_slice %arg2[%dma_start3A_176, %dma_start3A_177] : memref<10000x128xf32, #tpu.memory_space<hbm>> -> memref<10000x128xf32, #tpu.memory_space<hbm>>
          tpu.enqueue_indirect_dma source(%dma_start3A_178 : memref<10000x128xf32, #tpu.memory_space<hbm>>) target(%arg11 : memref<64x128xf32, #tpu.memory_space<vmem>>) offsets(%dma_start3A_175 : memref<64xi32, #tpu.memory_space<vmem>>) semaphore(%arg16 : memref<!tpu.dma_semaphore, #tpu.memory_space<semaphore_mem>>)
        } else {
        }
      } else {
      }
      %mul3A_104 = arith.constant 4 : i32
      %mul3A_105 = arith.muli %while3A_80, %mul3A_104 : i32
      %add3A_106 = arith.constant 3 : i32
      %add3A_107 = arith.addi %mul3A_105, %add3A_106 : i32
      %lt3A_108 = arith.cmpi slt, %add3A_107, %min3A : i32
      %convert_element_type3A_109 = arith.extui %lt3A_108 : i1 to i32
      %cond3A_110 = arith.constant 0 : i32
      %cond3A_111 = arith.cmpi ne, %convert_element_type3A_109, %cond3A_110 : i32
      scf.if %cond3A_111 {
        %dma_wait3A = arith.constant 0 : i32
        %dma_wait3A_112 = arith.constant 0 : i32
        %dma_wait3A_113 = tpu.memref_slice %arg2[%dma_wait3A, %dma_wait3A_112] : memref<10000x128xf32, #tpu.memory_space<hbm>> -> memref<64x128xf32, #tpu.memory_space<hbm>>
        %dma_wait3A_114 = arith.constant 0 : i32
        %dma_wait3A_115 = arith.constant 0 : i32
        %dma_wait3A_116 = tpu.memref_slice %arg2[%dma_wait3A_114, %dma_wait3A_115] : memref<10000x128xf32, #tpu.memory_space<hbm>> -> memref<64x128xf32, #tpu.memory_space<hbm>>
        tpu.wait_dma2 semaphore(%arg17 : memref<!tpu.dma_semaphore, #tpu.memory_space<semaphore_mem>>) src(%dma_wait3A_116 : memref<64x128xf32, #tpu.memory_space<hbm>>) dst(%arg12 : memref<64x128xf32, #tpu.memory_space<vmem>>)
        %add3A_117 = arith.constant 4 : i32
        %add3A_118 = arith.addi %add3A_107, %add3A_117 : i32
        %lt3A_119 = arith.cmpi slt, %add3A_118, %min3A : i32
        %convert_element_type3A_120 = arith.extui %lt3A_119 : i1 to i32
        %cond3A_121 = arith.constant 0 : i32
        %cond3A_122 = arith.cmpi ne, %convert_element_type3A_120, %cond3A_121 : i32
        scf.if %cond3A_122 {
          %add3A_143 = arith.addi %mul3A_2, %add3A_107 : i32
          %add3A_144 = arith.constant 4 : i32
          %add3A_145 = arith.addi %add3A_143, %add3A_144 : i32
          %dma_start3A = arith.constant 3 : i32
          %dma_start3A_146 = arith.constant 0 : i32
          %dma_start3A_147 = tpu.memref_slice %arg7[%dma_start3A, %dma_start3A_146] : memref<4x64xi32, #tpu.memory_space<vmem>> -> memref<1x64xi32, #tpu.memory_space<vmem>>
          %dma_start3A_148 = tpu.memref_squeeze %dma_start3A_147 : memref<1x64xi32, #tpu.memory_space<vmem>> -> memref<64xi32, #tpu.memory_space<vmem>>
          %dma_start3A_149 = arith.constant 0 : i32
          %dma_start3A_150 = tpu.memref_slice %arg4[%add3A_145, %dma_start3A_149] : memref<5000x64xi32, #tpu.memory_space<hbm>> -> memref<1x64xi32, #tpu.memory_space<hbm>>
          %dma_start3A_151 = tpu.memref_squeeze %dma_start3A_150 : memref<1x64xi32, #tpu.memory_space<hbm>> -> memref<64xi32, #tpu.memory_space<hbm>>
          %dma_start3A_152 = arith.constant 0 : i32
          %dma_start3A_153 = tpu.memref_slice %arg7[%dma_start3A, %dma_start3A_152] : memref<4x64xi32, #tpu.memory_space<vmem>> -> memref<1x64xi32, #tpu.memory_space<vmem>>
          %dma_start3A_154 = tpu.memref_squeeze %dma_start3A_153 : memref<1x64xi32, #tpu.memory_space<vmem>> -> memref<64xi32, #tpu.memory_space<vmem>>
          %dma_start3A_155 = arith.constant 0 : i32
          %dma_start3A_156 = tpu.memref_slice %arg4[%add3A_145, %dma_start3A_155] : memref<5000x64xi32, #tpu.memory_space<hbm>> -> memref<1x64xi32, #tpu.memory_space<hbm>>
          %dma_start3A_157 = tpu.memref_squeeze %dma_start3A_156 : memref<1x64xi32, #tpu.memory_space<hbm>> -> memref<64xi32, #tpu.memory_space<hbm>>
          tpu.enqueue_dma source(%dma_start3A_157 : memref<64xi32, #tpu.memory_space<hbm>>) target(%dma_start3A_154 : memref<64xi32, #tpu.memory_space<vmem>>) target_semaphore(%arg25 : memref<!tpu.dma_semaphore, #tpu.memory_space<semaphore_mem>>)
        } else {
        }
        %dma_wait3A_123 = arith.constant 0 : i32
        %dma_wait3A_124 = arith.constant 3 : i32
        %dma_wait3A_125 = arith.constant 0 : i32
        %dma_wait3A_126 = tpu.memref_slice %arg8[%dma_wait3A_124, %dma_wait3A_125] : memref<4x64xi32, #tpu.memory_space<vmem>> -> memref<1x64xi32, #tpu.memory_space<vmem>>
        %dma_wait3A_127 = tpu.memref_squeeze %dma_wait3A_126 : memref<1x64xi32, #tpu.memory_space<vmem>> -> memref<64xi32, #tpu.memory_space<vmem>>
        %dma_wait3A_128 = arith.constant 0 : i32
        %dma_wait3A_129 = tpu.memref_slice %arg3[%dma_wait3A_123, %dma_wait3A_128] : memref<5000x64xi32, #tpu.memory_space<hbm>> -> memref<1x64xi32, #tpu.memory_space<hbm>>
        %dma_wait3A_130 = tpu.memref_squeeze %dma_wait3A_129 : memref<1x64xi32, #tpu.memory_space<hbm>> -> memref<64xi32, #tpu.memory_space<hbm>>
        %dma_wait3A_131 = arith.constant 0 : i32
        %dma_wait3A_132 = tpu.memref_slice %arg8[%dma_wait3A_124, %dma_wait3A_131] : memref<4x64xi32, #tpu.memory_space<vmem>> -> memref<1x64xi32, #tpu.memory_space<vmem>>
        %dma_wait3A_133 = tpu.memref_squeeze %dma_wait3A_132 : memref<1x64xi32, #tpu.memory_space<vmem>> -> memref<64xi32, #tpu.memory_space<vmem>>
        %dma_wait3A_134 = arith.constant 0 : i32
        %dma_wait3A_135 = tpu.memref_slice %arg3[%dma_wait3A_123, %dma_wait3A_134] : memref<5000x64xi32, #tpu.memory_space<hbm>> -> memref<1x64xi32, #tpu.memory_space<hbm>>
        %dma_wait3A_136 = tpu.memref_squeeze %dma_wait3A_135 : memref<1x64xi32, #tpu.memory_space<hbm>> -> memref<64xi32, #tpu.memory_space<hbm>>
        tpu.wait_dma2 semaphore(%arg21 : memref<!tpu.dma_semaphore, #tpu.memory_space<semaphore_mem>>) src(%dma_wait3A_136 : memref<64xi32, #tpu.memory_space<hbm>>) dst(%dma_wait3A_133 : memref<64xi32, #tpu.memory_space<vmem>>)
        %run_scoped3A = arith.constant 3 : i32
        "tpu.region"() ({
          %run_scoped3A_143 = tpu.sem_alloc : memref<!tpu.dma_semaphore, #tpu.memory_space<semaphore_mem>>
          %dma_start3A = arith.constant 0 : i32
          %dma_start3A_144 = tpu.memref_slice %arg8[%run_scoped3A, %dma_start3A] : memref<4x64xi32, #tpu.memory_space<vmem>> -> memref<1x64xi32, #tpu.memory_space<vmem>>
          %dma_start3A_145 = tpu.memref_squeeze %dma_start3A_144 : memref<1x64xi32, #tpu.memory_space<vmem>> -> memref<64xi32, #tpu.memory_space<vmem>>
          %dma_start3A_146 = arith.constant 0 : i32
          %dma_start3A_147 = arith.constant 0 : i32
          %dma_start3A_148 = tpu.memref_slice %arg13[%dma_start3A_146, %dma_start3A_147] : memref<10112x128xf32, #tpu.memory_space<vmem_shared>> -> memref<10112x128xf32, #tpu.memory_space<vmem_shared>>
          tpu.enqueue_indirect_dma source(%arg12 : memref<64x128xf32, #tpu.memory_space<vmem>>) target(%dma_start3A_148 : memref<10112x128xf32, #tpu.memory_space<vmem_shared>>) offsets(%dma_start3A_145 : memref<64xi32, #tpu.memory_space<vmem>>) semaphore(%run_scoped3A_143 : memref<!tpu.dma_semaphore, #tpu.memory_space<semaphore_mem>>) {add = true}
          %dma_wait3A_149 = arith.constant 0 : i32
          %dma_wait3A_150 = tpu.memref_slice %arg8[%run_scoped3A, %dma_wait3A_149] : memref<4x64xi32, #tpu.memory_space<vmem>> -> memref<1x64xi32, #tpu.memory_space<vmem>>
          %dma_wait3A_151 = tpu.memref_squeeze %dma_wait3A_150 : memref<1x64xi32, #tpu.memory_space<vmem>> -> memref<64xi32, #tpu.memory_space<vmem>>
          %dma_wait3A_152 = arith.constant 0 : i32
          %dma_wait3A_153 = arith.constant 0 : i32
          %dma_wait3A_154 = tpu.memref_slice %arg13[%dma_wait3A_152, %dma_wait3A_153] : memref<10112x128xf32, #tpu.memory_space<vmem_shared>> -> memref<10112x128xf32, #tpu.memory_space<vmem_shared>>
          tpu.wait_indirect_dma semaphore(%run_scoped3A_143 : memref<!tpu.dma_semaphore, #tpu.memory_space<semaphore_mem>>) src(%arg12 : memref<64x128xf32, #tpu.memory_space<vmem>>) dst(%dma_wait3A_154 : memref<10112x128xf32, #tpu.memory_space<vmem_shared>>)
          tpu.yield
        }) : () -> ()
        %add3A_137 = arith.constant 4 : i32
        %add3A_138 = arith.addi %add3A_107, %add3A_137 : i32
        %lt3A_139 = arith.cmpi slt, %add3A_138, %min3A : i32
        %convert_element_type3A_140 = arith.extui %lt3A_139 : i1 to i32
        %cond3A_141 = arith.constant 0 : i32
        %cond3A_142 = arith.cmpi ne, %convert_element_type3A_140, %cond3A_141 : i32
        scf.if %cond3A_142 {
          %add3A_143 = arith.addi %mul3A_2, %add3A_107 : i32
          %add3A_144 = arith.constant 4 : i32
          %add3A_145 = arith.addi %add3A_143, %add3A_144 : i32
          %dma_start3A = arith.constant 3 : i32
          %dma_start3A_146 = arith.constant 0 : i32
          %dma_start3A_147 = tpu.memref_slice %arg8[%dma_start3A, %dma_start3A_146] : memref<4x64xi32, #tpu.memory_space<vmem>> -> memref<1x64xi32, #tpu.memory_space<vmem>>
          %dma_start3A_148 = tpu.memref_squeeze %dma_start3A_147 : memref<1x64xi32, #tpu.memory_space<vmem>> -> memref<64xi32, #tpu.memory_space<vmem>>
          %dma_start3A_149 = arith.constant 0 : i32
          %dma_start3A_150 = tpu.memref_slice %arg3[%add3A_145, %dma_start3A_149] : memref<5000x64xi32, #tpu.memory_space<hbm>> -> memref<1x64xi32, #tpu.memory_space<hbm>>
          %dma_start3A_151 = tpu.memref_squeeze %dma_start3A_150 : memref<1x64xi32, #tpu.memory_space<hbm>> -> memref<64xi32, #tpu.memory_space<hbm>>
          %dma_start3A_152 = arith.constant 0 : i32
          %dma_start3A_153 = tpu.memref_slice %arg8[%dma_start3A, %dma_start3A_152] : memref<4x64xi32, #tpu.memory_space<vmem>> -> memref<1x64xi32, #tpu.memory_space<vmem>>
          %dma_start3A_154 = tpu.memref_squeeze %dma_start3A_153 : memref<1x64xi32, #tpu.memory_space<vmem>> -> memref<64xi32, #tpu.memory_space<vmem>>
          %dma_start3A_155 = arith.constant 0 : i32
          %dma_start3A_156 = tpu.memref_slice %arg3[%add3A_145, %dma_start3A_155] : memref<5000x64xi32, #tpu.memory_space<hbm>> -> memref<1x64xi32, #tpu.memory_space<hbm>>
          %dma_start3A_157 = tpu.memref_squeeze %dma_start3A_156 : memref<1x64xi32, #tpu.memory_space<hbm>> -> memref<64xi32, #tpu.memory_space<hbm>>
          tpu.enqueue_dma source(%dma_start3A_157 : memref<64xi32, #tpu.memory_space<hbm>>) target(%dma_start3A_154 : memref<64xi32, #tpu.memory_space<vmem>>) target_semaphore(%arg21 : memref<!tpu.dma_semaphore, #tpu.memory_space<semaphore_mem>>)
          %dma_wait3A_158 = arith.constant 0 : i32
          %dma_wait3A_159 = arith.constant 3 : i32
          %dma_wait3A_160 = arith.constant 0 : i32
          %dma_wait3A_161 = tpu.memref_slice %arg7[%dma_wait3A_159, %dma_wait3A_160] : memref<4x64xi32, #tpu.memory_space<vmem>> -> memref<1x64xi32, #tpu.memory_space<vmem>>
          %dma_wait3A_162 = tpu.memref_squeeze %dma_wait3A_161 : memref<1x64xi32, #tpu.memory_space<vmem>> -> memref<64xi32, #tpu.memory_space<vmem>>
          %dma_wait3A_163 = arith.constant 0 : i32
          %dma_wait3A_164 = tpu.memref_slice %arg4[%dma_wait3A_158, %dma_wait3A_163] : memref<5000x64xi32, #tpu.memory_space<hbm>> -> memref<1x64xi32, #tpu.memory_space<hbm>>
          %dma_wait3A_165 = tpu.memref_squeeze %dma_wait3A_164 : memref<1x64xi32, #tpu.memory_space<hbm>> -> memref<64xi32, #tpu.memory_space<hbm>>
          %dma_wait3A_166 = arith.constant 0 : i32
          %dma_wait3A_167 = tpu.memref_slice %arg7[%dma_wait3A_159, %dma_wait3A_166] : memref<4x64xi32, #tpu.memory_space<vmem>> -> memref<1x64xi32, #tpu.memory_space<vmem>>
          %dma_wait3A_168 = tpu.memref_squeeze %dma_wait3A_167 : memref<1x64xi32, #tpu.memory_space<vmem>> -> memref<64xi32, #tpu.memory_space<vmem>>
          %dma_wait3A_169 = arith.constant 0 : i32
          %dma_wait3A_170 = tpu.memref_slice %arg4[%dma_wait3A_158, %dma_wait3A_169] : memref<5000x64xi32, #tpu.memory_space<hbm>> -> memref<1x64xi32, #tpu.memory_space<hbm>>
          %dma_wait3A_171 = tpu.memref_squeeze %dma_wait3A_170 : memref<1x64xi32, #tpu.memory_space<hbm>> -> memref<64xi32, #tpu.memory_space<hbm>>
          tpu.wait_dma2 semaphore(%arg25 : memref<!tpu.dma_semaphore, #tpu.memory_space<semaphore_mem>>) src(%dma_wait3A_171 : memref<64xi32, #tpu.memory_space<hbm>>) dst(%dma_wait3A_168 : memref<64xi32, #tpu.memory_space<vmem>>)
          %dma_start3A_172 = arith.constant 3 : i32
          %dma_start3A_173 = arith.constant 0 : i32
          %dma_start3A_174 = tpu.memref_slice %arg7[%dma_start3A_172, %dma_start3A_173] : memref<4x64xi32, #tpu.memory_space<vmem>> -> memref<1x64xi32, #tpu.memory_space<vmem>>
          %dma_start3A_175 = tpu.memref_squeeze %dma_start3A_174 : memref<1x64xi32, #tpu.memory_space<vmem>> -> memref<64xi32, #tpu.memory_space<vmem>>
          %dma_start3A_176 = arith.constant 0 : i32
          %dma_start3A_177 = arith.constant 0 : i32
          %dma_start3A_178 = tpu.memref_slice %arg2[%dma_start3A_176, %dma_start3A_177] : memref<10000x128xf32, #tpu.memory_space<hbm>> -> memref<10000x128xf32, #tpu.memory_space<hbm>>
          tpu.enqueue_indirect_dma source(%dma_start3A_178 : memref<10000x128xf32, #tpu.memory_space<hbm>>) target(%arg12 : memref<64x128xf32, #tpu.memory_space<vmem>>) offsets(%dma_start3A_175 : memref<64xi32, #tpu.memory_space<vmem>>) semaphore(%arg17 : memref<!tpu.dma_semaphore, #tpu.memory_space<semaphore_mem>>)
        } else {
        }
      } else {
      }
    }
    %barrier3A_75 = arith.constant 0 : index
    tpu.barrier barrier_id(%barrier3A_75)
    %mul3A_76 = arith.constant 632 : i32
    %mul3A_77 = arith.muli %arg1, %mul3A_76 : i32
    %mul3A_78 = arith.constant 632 : i32
    %mul3A_79 = arith.muli %arg1, %mul3A_78 : i32
    "tpu.region"() ({
      %run_scoped3A = tpu.sem_alloc : memref<!tpu.dma_semaphore, #tpu.memory_space<semaphore_mem>>
      %dma_start3A = arith.constant 0 : i32
      %dma_start3A_80 = arith.constant 0 : i32
      %dma_start3A_81 = tpu.memref_slice %arg6[%arg0, %dma_start3A, %dma_start3A_80] : memref<2x10112x128xf32, #tpu.memory_space<hbm>> -> memref<1x10112x128xf32, #tpu.memory_space<hbm>>
      %dma_start3A_82 = tpu.memref_squeeze %dma_start3A_81 : memref<1x10112x128xf32, #tpu.memory_space<hbm>> -> memref<10112x128xf32, #tpu.memory_space<hbm>>
      %dma_start3A_83 = arith.constant 0 : i32
      %dma_start3A_84 = tpu.memref_slice %dma_start3A_82[%mul3A_79, %dma_start3A_83] : memref<10112x128xf32, #tpu.memory_space<hbm>> -> memref<632x128xf32, #tpu.memory_space<hbm>>
      %dma_start3A_85 = arith.constant 0 : i32
      %dma_start3A_86 = tpu.memref_slice %arg13[%mul3A_77, %dma_start3A_85] : memref<10112x128xf32, #tpu.memory_space<vmem_shared>> -> memref<632x128xf32, #tpu.memory_space<vmem_shared>>
      tpu.enqueue_dma source(%dma_start3A_86 : memref<632x128xf32, #tpu.memory_space<vmem_shared>>) target(%dma_start3A_84 : memref<632x128xf32, #tpu.memory_space<hbm>>) target_semaphore(%run_scoped3A : memref<!tpu.dma_semaphore, #tpu.memory_space<semaphore_mem>>)
      %dma_wait3A = arith.constant 0 : i32
      %dma_wait3A_87 = arith.constant 0 : i32
      %dma_wait3A_88 = tpu.memref_slice %arg6[%arg0, %dma_wait3A, %dma_wait3A_87] : memref<2x10112x128xf32, #tpu.memory_space<hbm>> -> memref<1x10112x128xf32, #tpu.memory_space<hbm>>
      %dma_wait3A_89 = tpu.memref_squeeze %dma_wait3A_88 : memref<1x10112x128xf32, #tpu.memory_space<hbm>> -> memref<10112x128xf32, #tpu.memory_space<hbm>>
      %dma_wait3A_90 = arith.constant 0 : i32
      %dma_wait3A_91 = tpu.memref_slice %dma_wait3A_89[%mul3A_79, %dma_wait3A_90] : memref<10112x128xf32, #tpu.memory_space<hbm>> -> memref<632x128xf32, #tpu.memory_space<hbm>>
      %dma_wait3A_92 = arith.constant 0 : i32
      %dma_wait3A_93 = tpu.memref_slice %arg13[%mul3A_77, %dma_wait3A_92] : memref<10112x128xf32, #tpu.memory_space<vmem_shared>> -> memref<632x128xf32, #tpu.memory_space<vmem_shared>>
      tpu.wait_dma2 semaphore(%run_scoped3A : memref<!tpu.dma_semaphore, #tpu.memory_space<semaphore_mem>>) src(%dma_wait3A_93 : memref<632x128xf32, #tpu.memory_space<vmem_shared>>) dst(%dma_wait3A_91 : memref<632x128xf32, #tpu.memory_space<hbm>>)
      tpu.yield
    }) : () -> ()
    return
  }
}

module attributes {stable_mosaic.version = 14 : i64} {
  func.func @body(%arg0: i32, %arg1: memref<1000x128xf32, #tpu.memory_space<vmem>>, %arg2: memref<128x128xf32, #tpu.memory_space<vmem>>, %arg3: memref<1x128xf32, #tpu.memory_space<vmem>>, %arg4: memref<1000x128xf32, #tpu.memory_space<vmem>>) attributes {dimension_semantics = [#tpu.dimension_semantics<arbitrary>], iteration_bounds = array<i64: 10>, scalar_prefetch = 0 : i64, scratch_operands = 0 : i64, tpu.core_type = #tpu.core_type<tc>, window_params = [{transform_indices = @transform_0, window_bounds = array<i64: 1000, 128>}, {pipeline_mode = #tpu.pipeline_mode<synchronous>, transform_indices = @transform_1, window_bounds = array<i64: 128, 128>}, {pipeline_mode = #tpu.pipeline_mode<synchronous>, transform_indices = @transform_2, window_bounds = array<i64: 1, 128>}, {transform_indices = @transform_3, window_bounds = array<i64: 1000, 128>}]} {
    %get3A = arith.constant 0 : index
    %get3A_0 = arith.constant 0 : index
    %get3A_1 = vector.load %arg1[%get3A, %get3A_0] : memref<1000x128xf32, #tpu.memory_space<vmem>>, vector<1000x128xf32>
    %get3A_2 = arith.constant 0 : index
    %get3A_3 = arith.constant 0 : index
    %get3A_4 = vector.load %arg2[%get3A_2, %get3A_3] : memref<128x128xf32, #tpu.memory_space<vmem>>, vector<128x128xf32>
    %dot_general3A = arith.constant dense<0.000000e+00> : vector<1000x128xf32>
    %dot_general3A_5 = tpu.matmul %get3A_1, %get3A_4, %dot_general3A {dimension_numbers = #tpu.dot_dimension_numbers<[1], [1], [0], [0], [0, 0, 1, 0], [], []>, transpose_lhs_hint = false} : vector<1000x128xf32>, vector<128x128xf32>, vector<1000x128xf32> -> vector<1000x128xf32>
    %get3A_6 = arith.constant 0 : index
    %get3A_7 = arith.constant 0 : index
    %get3A_8 = vector.load %arg3[%get3A_6, %get3A_7] : memref<1x128xf32, #tpu.memory_space<vmem>>, vector<1x128xf32>
    %add3A = vector.broadcast %get3A_8 : vector<1x128xf32> to vector<1000x128xf32>
    %add3A_9 = arith.addf %dot_general3A_5, %add3A : vector<1000x128xf32>
    %swap3A = arith.constant 0 : index
    %swap3A_10 = arith.constant 0 : index
    %swap3A_11 = vector.load %arg4[%swap3A, %swap3A_10] : memref<1000x128xf32, #tpu.memory_space<vmem>>, vector<1000x128xf32>
    tpu.vector_store %arg4[%swap3A, %swap3A_10], %add3A_9 {strides = array<i32>} : memref<1000x128xf32, #tpu.memory_space<vmem>>, vector<1000x128xf32>,
    return
  }
  func.func @transform_0(%arg0: i32) -> (i32, i32) {
    %c0_i32 = arith.constant 0 : i32
    %c0_i32_0 = arith.constant 0 : i32
    return %arg0, %c0_i32 : i32, i32
  }
  func.func @transform_1(%arg0: i32) -> (i32, i32) {
    %c0_i32 = arith.constant 0 : i32
    %c0_i32_0 = arith.constant 0 : i32
    %c0_i32_1 = arith.constant 0 : i32
    return %c0_i32, %c0_i32_0 : i32, i32
  }
  func.func @transform_2(%arg0: i32) -> (i32, i32) {
    %c0_i32 = arith.constant 0 : i32
    %c0_i32_0 = arith.constant 0 : i32
    %c0_i32_1 = arith.constant 0 : i32
    return %c0_i32, %c0_i32_0 : i32, i32
  }
  func.func @transform_3(%arg0: i32) -> (i32, i32) {
    %c0_i32 = arith.constant 0 : i32
    %c0_i32_0 = arith.constant 0 : i32
    return %arg0, %c0_i32 : i32, i32
  }
}

module attributes {stable_mosaic.version = 14 : i64} {
  func.func @body(%arg0: i32, %arg1: memref<1x1000x128xf32, #tpu.memory_space<vmem>>, %arg2: memref<1x1000x128xf32, #tpu.memory_space<vmem>>, %arg3: memref<1000x128xf32, #tpu.memory_space<vmem>>) attributes {dimension_semantics = [#tpu.dimension_semantics<arbitrary>], iteration_bounds = array<i64: 10>, scalar_prefetch = 0 : i64, scratch_operands = 0 : i64, tpu.core_type = #tpu.core_type<tc>, window_params = [{transform_indices = @transform_0, window_bounds = array<i64: 1, 1000, 128>}, {transform_indices = @transform_1, window_bounds = array<i64: 1, 1000, 128>}, {transform_indices = @transform_2, window_bounds = array<i64: 1000, 128>}]} {
    %get3A = arith.constant 0 : index
    %get3A_0 = arith.constant 0 : index
    %get3A_1 = arith.constant 0 : index
    %get3A_2 = vector.load %arg1[%get3A, %get3A_0, %get3A_1] : memref<1x1000x128xf32, #tpu.memory_space<vmem>>, vector<1x1000x128xf32>
    %get3A_3 = vector.shape_cast %get3A_2 : vector<1x1000x128xf32> to vector<1000x128xf32>
    %get3A_4 = arith.constant 0 : index
    %get3A_5 = arith.constant 0 : index
    %get3A_6 = arith.constant 0 : index
    %get3A_7 = vector.load %arg2[%get3A_4, %get3A_5, %get3A_6] : memref<1x1000x128xf32, #tpu.memory_space<vmem>>, vector<1x1000x128xf32>
    %get3A_8 = vector.shape_cast %get3A_7 : vector<1x1000x128xf32> to vector<1000x128xf32>
    %add3A = arith.addf %get3A_3, %get3A_8 : vector<1000x128xf32>
    %swap3A = arith.constant 0 : index
    %swap3A_9 = arith.constant 0 : index
    %swap3A_10 = vector.load %arg3[%swap3A, %swap3A_9] : memref<1000x128xf32, #tpu.memory_space<vmem>>, vector<1000x128xf32>
    tpu.vector_store %arg3[%swap3A, %swap3A_9], %add3A {strides = array<i32>} : memref<1000x128xf32, #tpu.memory_space<vmem>>, vector<1000x128xf32>,
    return
  }
  func.func @transform_0(%arg0: i32) -> (i32, i32, i32) {
    %c0_i32 = arith.constant 0 : i32
    %c0_i32_0 = arith.constant 0 : i32
    %c0_i32_1 = arith.constant 0 : i32
    return %c0_i32, %arg0, %c0_i32_0 : i32, i32, i32
  }
  func.func @transform_1(%arg0: i32) -> (i32, i32, i32) {
    %c1_i32 = arith.constant 1 : i32
    %c0_i32 = arith.constant 0 : i32
    %c0_i32_0 = arith.constant 0 : i32
    return %c1_i32, %arg0, %c0_i32 : i32, i32, i32
  }
  func.func @transform_2(%arg0: i32) -> (i32, i32) {
    %c0_i32 = arith.constant 0 : i32
    %c0_i32_0 = arith.constant 0 : i32
    return %arg0, %c0_i32 : i32, i32
  }
}

</mosaic_0001>

<sc_bundles>
// kernel: kernel.5.cloned.1.call-start
scs
__scs_entry_jumppad:
0x0: {  	(pc) =	sbr.rel $0x88, $3  }
0x1: {  	(tag) =	ssettag $0x0;
	lr =	simm.s32 $0x1  }
0x2: {  	[smem:$0x3F9D] =	sst lr;
	_ =	strace $0xD0000000  }
0x3: {  	_ = 	snop  }
0x4: {  	_ = 	snop  }
0x5: {  	_ = 	snop  }
0x6: {  	_ = 	snop  }
0x7: {  	_ = 	snop  }
__scs_overlays_trampoline_lowered:
0x8: {  	[smem:$0x3FAC] =	sst s0  }
0x9: {  	[smem:$0x3FAD] =	sst s1  }
0xa: {  	[smem:$0x3FAE] =	sst s2  }
0xb: {  	[smem:$0x3FAF] =	sst s3  }
0xc: {  	[smem:$0x3FB0] =	sst s4  }
0xd: {  	[smem:$0x3FB1] =	sst s5  }
0xe: {  	[smem:$0x3FB2] =	sst s6  }
0xf: {  	[smem:$0x3FB3] =	sst s7  }
0x10: {  	[smem:$0x3FB4] =	sst s8  }
0x11: {  	[smem:$0x3FB5] =	sst s9;
	s0 =	simm.s32 @!p0 $0x0  }
0x12: {  	s1 =	sld [smem:$0x3F9B];
	s0 =	simm.s32 @p0 $0x1  }
0x13: {  	[smem:$0x3FB6] =	sst s0;
	s0 =	simm.s32 @!p1 $0x0  }
0x14: {  	s2 =	sld [smem:$0x3F9A];
	s0 =	simm.s32 @p1 $0x1  }
0x15: {  	[smem:$0x3FB7] =	sst s0;
	s0 =	simm.s32 @!p2 $0x0  }
0x16: {  	s3 =	sld [smem:$0x3FDB];
	s0 =	simm.s32 @p2 $0x1  }
0x17: {  	s4 =	simm.s32 $0x1BF5;
	[smem:$0x3FB9] =	sst s0  }
0x18: {  	s0 =	sld [smem:$0x3F9C];
	_ =	swait.ge [sflag:s4], $0x0  }
0x19: {  	s7 =	sld [smem:$0x3F9D]  }
0x1a: {  	s8 =	sadd.s32 $0xFFFFE003, lr  }
0x1b: {  	s9 =	sadd.s32 $0xFFFFFEF7, lr;
	s5 =	simm.s32 $0xFFFFFFFF;
	p2 =	slt.u32 s8, $0xFFFFF086  }
0x1c: {  	p1 =	slt.u32 s9, $0xF7A;
	s5 =	simm.s32 @!p2 $0x0  }
0x1d: {  	s5 =	simm.s32 @p1 $0x1;
	p0 =	seq.s32 s7, s2  }
0x1e: {  	s7 =	smul.u32 @!p0 $0xF7A, s2;
	p2 =	seq.s32 @!p0 s5, $0x0  }
0x1f: {  	s9 =	smul.u32 $0xF7A, s1;
	s8 =	simm.s32 @!p0 $0x1BF5;
	p2 =	por !p2, p0  }
0x20: {  	[sflag:s8] =	ssyncset.s32 @!p0 $0xFFFFF086;
	s6 =	sadd.s32 @!p0 s3, s7;
	s7 =	simm.s32 @!p0 $0x108  }
0x21: {  	s3 =	sadd.s32 s3, s9;
	s6 =	sadd.s32 @!p0 $0x88, s6;
	s7 =	simm.s32 @p2 $0x1082  }
0x22: {  	[simem:s7], [sflag:s8] =	dma.local @!p0 [hbm:s6], $0xF7A  }
0x23: {  	s9 =	sor.u32 $0xD0000000, s2;
	s6 =	simm.s32 $0x108;
	_ =	swait.ge @!p0 [sflag:s8], $0x0  }
0x24: {  	s3 =	sadd.s32 $0x88, s3;
	s6 =	simm.s32 @!p1 $0x1082;
	[sflag:s4] =	ssyncset.s32 $0xFFFFF086  }
0x25: {  	[simem:s6], [sflag:s4] =	dma.local [hbm:s3], $0xF7A  }
0x26: {  	[smem:$0x3F9D] =	sst s1;
	(tag) =	ssettag s2;
	_ =	strace s9  }
0x27: {  	s1 =	sld [smem:$0x3FAD]  }
0x28: {  	s2 =	sld [smem:$0x3FAE]  }
0x29: {  	s4 =	sld [smem:$0x3FB0]  }
0x2a: {  	p0 =	seq.s32 s5, $0x0;
	s5 =	sld [smem:$0x3FB1]  }
0x2b: {  	s6 =	sld [smem:$0x3FB2]  }
0x2c: {  	s7 =	sld [smem:$0x3FB3]  }
0x2d: {  	s3 =	simm.s32 $0x108;
	s8 =	sld [smem:$0x3FB4]  }
0x2e: {  	s3 =	simm.s32 @!p0 $0x1082;
	s9 =	sld [smem:$0x3FB5]  }
0x2f: {  	lr =	sadd.s32 s0, s3;
	s0 =	sld [smem:$0x3FAC]  }
0x30: {  	s3 =	sld [smem:$0x3FAF]  }
0x31: {  	[smem:$0x3FB8] =	sst s10  }
0x32: {  	s10 =	sld [smem:$0x3FB6];
	_ =	sdelay $0x3  }
0x33: {  	p0 =	seq.s32 s10, $0x1;
	s10 =	sld [smem:$0x3FB8];
	_ =	sdelay $0x3  }
0x34: {  	[smem:$0x3FB8] =	sst s10  }
0x35: {  	s10 =	sld [smem:$0x3FB7];
	_ =	sdelay $0x3  }
0x36: {  	p1 =	seq.s32 s10, $0x1;
	s10 =	sld [smem:$0x3FB8];
	_ =	sdelay $0x3  }
0x37: {  	[smem:$0x3FB8] =	sst s10  }
0x38: {  	s10 =	sld [smem:$0x3FB9]  }
0x39: {  	_ = 	snop;
	(pc) =	sbr.ind lr, $3  }
0x3a: {  	_ = 	snop  }
0x3b: {  	_ = 	snop  }
0x3c: {  	p2 =	seq.s32 s10, $0x1;
	s10 =	sld [smem:$0x3FB8]  }
0x3d: {  	_ =	shalt  }
0x3e: {  	_ =	shalt  }
0x3f: {  	_ =	shalt  }
0x40: {  	_ =	shalt  }
0x41: {  	_ =	shalt  }
0x42: {  	_ =	shalt  }
0x43: {  	_ =	shalt  }
0x44: {  	_ =	shalt  }
0x45: {  	_ =	shalt  }
0x46: {  	_ =	shalt  }
0x47: {  	_ =	shalt  }
0x48: {  	_ =	shalt  }
0x49: {  	_ =	shalt  }
0x4a: {  	_ =	shalt  }
0x4b: {  	_ =	shalt  }
0x4c: {  	_ =	shalt  }
0x4d: {  	_ =	shalt  }
0x4e: {  	_ =	shalt  }
0x4f: {  	_ =	shalt  }
0x50: {  	_ =	shalt  }
0x51: {  	_ =	shalt  }
0x52: {  	_ =	shalt  }
0x53: {  	_ =	shalt  }
0x54: {  	_ =	shalt  }
0x55: {  	_ =	shalt  }
0x56: {  	_ =	shalt  }
0x57: {  	_ =	shalt  }
0x58: {  	_ =	shalt  }
0x59: {  	_ =	shalt  }
0x5a: {  	_ =	shalt  }
0x5b: {  	_ =	shalt  }
0x5c: {  	_ =	shalt  }
0x5d: {  	_ =	shalt  }
0x5e: {  	_ =	shalt  }
0x5f: {  	_ =	shalt  }
0x60: {  	_ =	shalt  }
0x61: {  	_ =	shalt  }
0x62: {  	_ =	shalt  }
0x63: {  	_ =	shalt  }
0x64: {  	_ =	shalt  }
0x65: {  	_ =	shalt  }
0x66: {  	_ =	shalt  }
0x67: {  	_ =	shalt  }
0x68: {  	_ =	shalt  }
0x69: {  	_ =	shalt  }
0x6a: {  	_ =	shalt  }
0x6b: {  	_ =	shalt  }
0x6c: {  	_ =	shalt  }
0x6d: {  	_ =	shalt  }
0x6e: {  	_ =	shalt  }
0x6f: {  	_ =	shalt  }
0x70: {  	_ =	shalt  }
0x71: {  	_ =	shalt  }
0x72: {  	_ =	shalt  }
0x73: {  	_ =	shalt  }
0x74: {  	_ =	shalt  }
0x75: {  	_ =	shalt  }
0x76: {  	_ =	shalt  }
0x77: {  	_ =	shalt  }
0x78: {  	_ =	shalt  }
0x79: {  	_ =	shalt  }
0x7a: {  	_ =	shalt  }
0x7b: {  	_ =	shalt  }
0x7c: {  	_ =	shalt  }
0x7d: {  	_ =	shalt  }
0x7e: {  	_ =	shalt  }
0x7f: {  	_ =	shalt  }
0x80: {  	_ =	shalt  }
0x81: {  	_ =	shalt  }
0x82: {  	_ =	shalt  }
0x83: {  	_ =	shalt  }
0x84: {  	_ =	shalt  }
0x85: {  	_ =	shalt  }
0x86: {  	_ =	shalt  }
0x87: {  	_ =	shalt  }
.Lfunc_end0:
.L_simem_size_0:
called_computation_lowered:
.L_overlay_start_0:
0x88: {  	s2 =	sld [smem:$0x3FD9]  }
0x89: {  	s3 =	sld [smem:$0x3FFE];
	_ =	sdelay $0x1  }
0x8a: {  	s1 =	srdreg.scid  }
0x8b: {  	s0 =	sand.u32 $0x1, s1  }
0x8c: {  	s17 =	sshll.u32 s0, $0xA;
	s2 =	sadd.s32 s3, s2  }
0x8d: {  	s2 =	sadd.s32 s2, s17  }
0x8e: {  	[smem:$0x3FC4] =	sst s2  }
0x8f: {  	_ = 	snop  }
0x90: {  	s2 =	sld [smem:$0x3FD0];
	(tm) =	ssettm $0x1  }
0x91: {  	s18 =	sld [smem:$0x3FFB];
	_ =	sdelay $0x3  }
0x92: {  	_ =	strace s18  }
0x93: {  	s3 =	sld [smem:$0x3FFC];
	_ =	sdelay $0x3  }
0x94: {  	_ =	strace s3  }
0x95: {  	s3 =	sld [smem:$0x3FFD];
	_ =	sdelay $0x3  }
0x96: {  	_ =	strace s3  }
0x97: {  	_ =	strace $0x8FFFFFFF  }
0x98: {  	s19 =	sld [smem:$0x3FDB];
	_ =	sdelay $0x1  }
0x99: {  	s4 =	simm.s32 $_scs_section_size  }
0x9a: {  	s5 =	simm.s32 $_size__tile_overlayer_lowered;
	s6 =	simm.s32 $_tile_overlayer_lowered  }
0x9b: {  	s22 =	simm.s32 $0x1BFF;
	s21 =	sshll.u32 s6, $0x1;
	s3 =	sadd.s32 s4, s19  }
0x9c: {  	s7 =	simm.s32 $0x0;
	s20 =	sshll.u32 s5, $0x1;
	s5 =	sadd.s32 s21, s3  }
0x9d: {  	[timem:s7], [sflag:s22] =	dma.local [hbm:s5], s20  }
0x9e: {  	_ =	swait.ge [sflag:s22], s20  }
0x9f: {  	s4 =	ssub.s32 $0x0, s20;
	[sflag:s22] =	ssyncset.done $0x0  }
0xa0: {  	[sflag:s22] =	ssyncadd.s32 s4;
	_ =	sdelay $0x1  }
0xa1: {  	s23 =	simm.s32 $0x1B8B  }
0xa2: {  	_ =	swait.ge [sflag:s23], $0x1  }
0xa3: {  	[sflag:s23] =	ssyncset.done $0x0  }
0xa4: {  	s25 =	simm.s32 $0x1B8E;
	s24 =	sld [smem:$0x3FFE];
	[sflag:s23] =	ssyncadd.s32 $0xFFFFFFFF  }
0xa5: {  	s26 =	simm.s32 $execute0_lowered;
	[smem:$0x3FD2] =	sst s25  }
0xa6: {  	s5 =	sshll.u32 s26, $0x1;
	_ =	strace $0x80000046;
	[dreg:$0x1] =	wrdreg $0xFFFFFFFF  }
0xa7: {  	s28 =	simm.s32 $_size_execute0_lowered;
	s3 =	sadd.s32 s3, s5;
	[dreg:$0x0] =	wrdreg $0x0  }
0xa8: {  	s5 =	sshll.u32 s28, $0x1;
	[dreg:$0x2] =	wrdreg s3  }
0xa9: {  	[dreg:$0x3] =	wrdreg s5  }
0xaa: {  	[dreg:$0x4] =	wrdreg $0xC0  }
0xab: {  	_ =	task [dreg:s7], $0x5FFFF  }
0xac: {  	[dreg:$0x1] =	wrdreg $0xFFFFFFFF  }
0xad: {  	[dreg:$0x0] =	wrdreg $0x60  }
0xae: {  	[dreg:$0x2] =	wrdreg s2  }
0xaf: {  	[dreg:$0x3] =	wrdreg s24  }
0xb0: {  	[dreg:$0x4] =	wrdreg $0x84000  }
0xb1: {  	[dreg:$0x5] =	wrdreg $0x9  }
0xb2: {  	_ =	task.clear_ibuf [dreg:s7], $0x6FFFF;
	_ =	strace $0x90000046  }
0xb3: {  	s29 =	simm.s32 $0x9;
	_ =	strace $0x80000048  }
0xb4: {  	_ =	swait.ge [sflag:s29], $0x1  }
0xb5: {  	[sflag:s29] =	ssyncadd.s32 $0xFFFFFFFF  }
0xb6: {  	_ =	strace $0x90000048  }
0xb7: {  	_ =	sfence  }
0xb8: {  	s30 =	sld [smem:$0x0];
	_ =	sdelay $0x2  }
0xb9: {  	s31 =	sshll.u32 s1, $0xD;
	s1 =	sshrl.u32 s1, $0x2  }
0xba: {  	s3 =	sand.u32 $0x4000, s31;
	s1 =	sadd.s32 s1, s30  }
0xbb: {  	s0 =	sor.u32 s3, s0;
	s1 =	sshll.u32 s1, $0x11  }
0xbc: {  	s0 =	sor.u32 s1, s0  }
0xbd: {  	s0 =	sadd.s32 $0x8F2B, s0  }
0xbe: {  	[sflag:s0] =	ssyncadd.remote.s32 $0x1  }
0xbf: {  	_ =	sfence.sel $0xFFFF  }
0xc0: {  	[dreg:$0x0] =	wrdreg $0xFFFFFFFF;
	(pc) =	sbr.abs _section_cstart, $3  }
0xc1: {  	[dreg:$0x1] =	wrdreg $0xFFFFFFFF  }
0xc2: {  	_ =	task.clear_ibuf [dreg:s7], $0x2FFFF;
	_ =	strace $0x9FFFFFFF  }
0xc3: {  	(tm) =	ssettm $0x7FFFFFFF  }
tec
execute0_lowered:
.L_overlay_start_1:
0x0: {  	(tag) =	ssettag $0x1  }
0x1: {  	s1 =	rddreg [dreg:$0x0]  }
0x2: {  	s0 =	rddreg [dreg:$0x1]  }
0x3: {  	s2 =	srdreg.scid;
	s14 =	stileid.u32  }
0x4: {  	s3 =	rddreg [dreg:$0x2];
	s8 =	smul.u32 $0x4F000, s14  }
0x5: {  	s4 =	simm.s32 $0x0;
	s31 =	simm.s32 $0x100;
	s18 =	smul.u32 $0xFFFFFF63, s14  }
0x6: {  	s28 =	simm.s32 $0x40;
	s2 =	sand.u32 $0x1, s2;
	s23 =	smul.u32 $0x4E80, s14  }
0x7: {  	s30 =	simm.s32 $0xB;
	[smem:$0x7FF] =	sst s4;
	s6 =	smul.u32 $0x27800, s2  }
0x8: {  	s13 =	sadd.s32 $0x14600, s0;
	s5 =	sshll.u32 s2, $0x4;
	s20 =	smul.u32 $0xFFFFF630, s2  }
0x9: {  	s9 =	ssub.s32 $0x2, s2;
	s2 =	smul.u32 $0x4E800, s2;
	s5 =	sor.u32 s14, s5  }
0xa: {  	s12 =	sadd.s32 $0xC00, s0;
	s11 =	sadd.s32 $0x28000, s0;
	s7 =	smul.u32 $0x9D, s5  }
0xb: {  	_ =	strace $0x80000047;
	[dreg:$0x6] =	wrdreg s11;
	s10 =	smul.u32 $0x4E80, s5  }
0xc: {  	s24 =	sshrl.u32 s9, $0x1;
	s25 =	sshrl.u32 s8, $0x2;
	s5 =	smul.u32 $0x280, s5  }
0xd: {  	s0 =	sadd.s32 s6, s0;
	s6 =	ssub.s32 s9, s24;
	s29 =	sadd.s32 s25, s3  }
0xe: {  	s9 =	sshll.u32 s14, $0x6;
	s24 =	smul.u32 $0x2780, s14;
	s2 =	sadd.s32 s23, s2  }
0xf: {  	[dreg:$0x7] =	wrdreg s29;
	s0 =	sadd.s32 $0x2A800, s0;
	s6 =	smax.u32 s6, $0x1  }
0x10: {  	s25 =	sadd.s32 $0x200, s2;
	s29 =	sadd.s32 $0x300, s2;
	s7 =	ssub.s32 $0x1388, s7  }
0x11: {  	s26 =	sand.u32 $0xFFC00, s10;
	s5 =	sand.u32 $0x380, s5;
	[dreg:$0x10] =	wrdreg s6  }
0x12: {  	s11 =	sshrl.u32 s10, $0x3;
	s10 =	sor.u32 $0x1C0D, s9;
	[dreg:$0x11] =	wrdreg s25  }
0x13: {  	s24 =	sadd.s32 s24, s0;
	s25 =	simm.s32 $0xD;
	s0 =	simm.s32 $0xA  }
0x14: {  	s8 =	smin.u32 s7, $0x9D;
	s5 =	sor.u32 s5, s26;
	s16 =	sadd.s32 $0x10, s11  }
0x15: {  	s19 =	sadd.s32 $0x20, s11;
	s21 =	sadd.s32 $0x30, s11;
	s26 =	sadd.s32 $0x380, s2  }
0x16: {  	s2 =	sadd.s32 $0x280, s2;
	s5 =	sshrl.u32 s5, $0x3;
	s17 =	sadd.s32 s13, s16  }
0x17: {  	s7 =	sadd.s32 s12, s16;
	s9 =	sadd.s32 s13, s21;
	[dreg:$0xa] =	wrdreg s17  }
0x18: {  	s22 =	sadd.s32 $0xFFFFFFFC, s8;
	s23 =	sshrl.u32 s2, $0x3;
	[dreg:$0xb] =	wrdreg s7  }
0x19: {  	s2 =	simm.s32 $0x180;
	s15 =	sadd.s32 s13, s5;
	[dreg:$0xe] =	wrdreg s9  }
0x1a: {  	s5 =	sadd.s32 s12, s5;
	s7 =	sadd.s32 s12, s19;
	[dreg:$0x4] =	wrdreg s22  }
0x1b: {  	s22 =	sshrl.u32 s29, $0x3;
	[dreg:$0x9] =	wrdreg s5;
	s5 =	sadd.s32 s20, s18  }
0x1c: {  	s9 =	simm.s32 $0x0;
	[dreg:$0x8] =	wrdreg s15;
	s5 =	sadd.s32 $0x1388, s5  }
0x1d: {  	s15 =	sadd.s32 s13, s19;
	[dreg:$0xd] =	wrdreg s7;
	s5 =	smin.u32 s5, $0x9D  }
0x1e: {  	s7 =	sadd.s32 s12, s21;
	[dreg:$0xc] =	wrdreg s15;
	s5 =	sadd.s32 $0x3, s5  }
0x1f: {  	s21 =	sshrl.u32 s26, $0x3;
	[dreg:$0xf] =	wrdreg s7;
	s5 =	sand.u32 $0x1FC, s5  }
0x20: {  	s26 =	simm.s32 $0x9;
	s7 =	simm.s32 $0xC;
	[dreg:$0x5] =	wrdreg s5  }
.LBB2_1:
0x21: {  	s5 =	rddreg [dreg:$0x7]  }
0x22: {  	s14 =	rddreg [dreg:$0x6];
	s11 =	sshrl.u32 s5, $0x3  }
0x23: {  	[spmem:s11], [sflag:s10] =	dma.local [hbm:s14], $0x2780  }
0x24: {  	_ =	swait.ge [sflag:s25], $0x2780  }
0x25: {  	[sflag:s25] =	ssyncset.done $0x0  }
0x26: {  	[sflag:s25] =	ssyncadd.s32 $0xFFFFD880  }
0x27: {  	[bflag:$0x0] =	sbarrier.arrive $0xFFFF  }
0x28: {  	s6 =	simm.s32 $0x200;
	s15 =	rddreg [dreg:$0x8]  }
0x29: {  	[tilespmem:s6], [sflag:$0x5] =	stream.linear.gather [hbm4b:s15+s4], $0x80, $0x38;
	[tilespmem:$0x1C000] =	vst v63  }
0x2a: {  	s16 =	rddreg [dreg:$0x9]  }
0x2b: {  	[tilespmem:s4], [sflag:$0x9] =	stream.linear.gather [hbm4b:s16+s4], $0x80, $0x38;
	[tilespmem:$0x1C000] =	vst v63  }
0x2c: {  	s18 =	simm.s32 $0x280;
	s17 =	rddreg [dreg:$0xa]  }
0x2d: {  	[tilespmem:s18], [sflag:$0x6] =	stream.linear.gather [hbm4b:s17+s4], $0x80, $0x38;
	[tilespmem:$0x1C000] =	vst v63  }
0x2e: {  	s20 =	simm.s32 $0x80;
	s19 =	rddreg [dreg:$0xb]  }
0x2f: {  	[tilespmem:s20], [sflag:$0xA] =	stream.linear.gather [hbm4b:s19+s4], $0x80, $0x38;
	[tilespmem:$0x1C000] =	vst v63  }
0x30: {  	s14 =	simm.s32 $0x300;
	s29 =	rddreg [dreg:$0xc]  }
0x31: {  	[tilespmem:s14], [sflag:$0x7] =	stream.linear.gather [hbm4b:s29+s4], $0x80, $0x38;
	[tilespmem:$0x1C000] =	vst v63  }
0x32: {  	s14 =	rddreg [dreg:$0xd]  }
0x33: {  	[tilespmem:s31], [sflag:$0xB] =	stream.linear.gather [hbm4b:s14+s4], $0x80, $0x38;
	[tilespmem:$0x1C000] =	vst v63  }
0x34: {  	s15 =	rddreg [dreg:$0xe];
	s16 =	simm.s32 $0x380  }
0x35: {  	[tilespmem:s16], [sflag:$0x8] =	stream.linear.gather [hbm4b:s15+s4], $0x80, $0x38;
	[tilespmem:$0x1C000] =	vst v63  }
0x36: {  	s17 =	rddreg [dreg:$0xf]  }
0x37: {  	[tilespmem:s2], [sflag:$0xC] =	stream.linear.gather [hbm4b:s17+s4], $0x80, $0x38;
	[tilespmem:$0x1C000] =	vst v63  }
0x38: {  	_ =	swait.ge [sflag:s26], $0x80  }
0x39: {  	[sflag:s26] =	ssyncset.done $0x0  }
0x3a: {  	s18 =	simm.s32 $0x400;
	[sflag:s26] =	ssyncadd.s32 $0xFFFFFF80  }
0x3b: {  	[tilespmem:s18], [sflag:$0x1] =	stream.indirect.gather [hbm4b:s1+s28], $0x80, s4, s28, $0xb8;
	[tilespmem:$0x1C000] =	vst v63  }
0x3c: {  	_ =	swait.ge [sflag:s0], $0x80  }
0x3d: {  	[sflag:s0] =	ssyncset.done $0x0  }
0x3e: {  	s19 =	simm.s32 $0x2400;
	[sflag:s0] =	ssyncadd.s32 $0xFFFFFF80  }
0x3f: {  	[tilespmem:s19], [sflag:$0x2] =	stream.indirect.gather [hbm4b:s1+s28], $0x80, s20, s28, $0xb8;
	[tilespmem:$0x1C000] =	vst v63  }
0x40: {  	_ =	swait.ge [sflag:s30], $0x80  }
0x41: {  	[sflag:s30] =	ssyncset.done $0x0  }
0x42: {  	s20 =	simm.s32 $0x4400;
	[sflag:s30] =	ssyncadd.s32 $0xFFFFFF80  }
0x43: {  	[tilespmem:s20], [sflag:$0x3] =	stream.indirect.gather [hbm4b:s1+s28], $0x80, s31, s28, $0xb8;
	[tilespmem:$0x1C000] =	vst v63  }
0x44: {  	s5 =	smov.u32 s13;
	_ =	swait.ge [sflag:s7], $0x80  }
0x45: {  	s6 =	smov.u32 s12;
	s29 =	simm.s32 $0x6400;
	[sflag:s7] =	ssyncset.done $0x0  }
0x46: {  	s15 =	simm.s32 $0x0;
	s20 =	rddreg [dreg:$0x11];
	[sflag:s7] =	ssyncadd.s32 $0xFFFFFF80  }
0x47: {  	[tilespmem:s29], [sflag:$0x4] =	stream.indirect.gather [hbm4b:s1+s28], $0x80, s2, s28, $0xb8;
	[tilespmem:$0x1C000] =	vst v63  }
.LBB2_2:
0x48: {  	p0 =	sge.u32 s15, s8  }
0x49: {  	s16 =	simm.s32 @!p0 $0x1  }
0x4a: {  	_ =	swait.ge @!p0 [sflag:s16], $0x2000  }
0x4b: {  	s17 =	rddreg [dreg:$0x4]  }
0x4c: {  	p2 =	sge.u32 @!p0 s15, s17  }
0x4d: {  	[sflag:s16] =	ssyncset.done @!p0 $0x0;
	p1 =	por !p2, p0  }
0x4e: {  	[sflag:s16] =	ssyncadd.s32 @!p0 $0xFFFFE000;
	s16 =	simm.s32 @!p1 $0x5  }
0x4f: {  	_ =	swait.ge @!p1 [sflag:s16], $0x80  }
0x50: {  	s17 =	simm.s32 @!p1 $0x200;
	[sflag:s16] =	ssyncset.done @!p1 $0x0  }
0x51: {  	s18 =	simm.s32 @!p1 $0x400;
	[sflag:s16] =	ssyncadd.s32 @!p1 $0xFFFFFF80;
	s16 =	simm.s32 @!p1 $0x40  }
0x52: {  	[spmem:s3] =	stream.indirect.scatter.add.f32 @!p1 [tilespmem:s18], [sflag:$0xD], $0x80, s17, s16, $0xb8;
	[tilespmem:$0x1C000] =	vst v63  }
0x53: {  	s16 =	simm.s32 @!p1 $0xD  }
0x54: {  	p0 =	por p2, p0;
	_ =	swait.ge @!p1 [sflag:s16], $0x2000  }
0x55: {  	s17 =	sshrl.u32 @!p0 s20, $0x3;
	[sflag:s16] =	ssyncset.done @!p1 $0x0  }
0x56: {  	s18 =	simm.s32 @!p0 $0x0;
	[sflag:s16] =	ssyncadd.s32 @!p1 $0xFFFFE000;
	s16 =	sadd.s32 @!p0 s12, s17  }
0x57: {  	[tilespmem:s18], [sflag:$0x9] =	stream.linear.gather @!p0 [hbm4b:s16+s18], $0x80, $0x38;
	[tilespmem:$0x1C000] =	vst v63  }
0x58: {  	s16 =	simm.s32 @!p0 $0x5  }
0x59: {  	_ =	swait.ge @!p0 [sflag:s16], $0x80  }
0x5a: {  	s19 =	simm.s32 @!p0 $0x200;
	s14 =	simm.s32 @!p0 $0x400;
	[sflag:s16] =	ssyncset.done @!p0 $0x0  }
0x5b: {  	s29 =	simm.s32 @!p0 $0xD;
	[sflag:s16] =	ssyncadd.s32 @!p0 $0xFFFFFF80;
	s16 =	simm.s32 @!p0 $0x40  }
0x5c: {  	[spmem:s3] =	stream.indirect.scatter.add.f32 @!p0 [tilespmem:s14], [sflag:$0xD], $0x80, s19, s16, $0xb8;
	[tilespmem:$0x1C000] =	vst v63  }
0x5d: {  	_ =	swait.ge @!p0 [sflag:s29], $0x2000  }
0x5e: {  	[sflag:s29] =	ssyncset.done @!p0 $0x0  }
0x5f: {  	s17 =	sadd.s32 @!p0 s13, s17;
	[sflag:s29] =	ssyncadd.s32 @!p0 $0xFFFFE000  }
0x60: {  	[tilespmem:s19], [sflag:$0x5] =	stream.linear.gather @!p0 [hbm4b:s17+s18], $0x80, $0x38;
	[tilespmem:$0x1C000] =	vst v63  }
0x61: {  	s17 =	simm.s32 @!p0 $0x9  }
0x62: {  	_ =	swait.ge @!p0 [sflag:s17], $0x80  }
0x63: {  	[sflag:s17] =	ssyncset.done @!p0 $0x0  }
0x64: {  	[sflag:s17] =	ssyncadd.s32 @!p0 $0xFFFFFF80;
	s17 =	sadd.s32 $0x1, s15  }
0x65: {  	[tilespmem:s14], [sflag:$0x1] =	stream.indirect.gather @!p0 [hbm4b:s1+s16], $0x80, s18, s16, $0xb8;
	[tilespmem:$0x1C000] =	vst v63  }
0x66: {  	p0 =	sge.u32 s17, s8  }
0x67: {  	s14 =	simm.s32 @!p0 $0x2;
	s16 =	sadd.s32 @!p0 $0x5, s15  }
0x68: {  	_ =	swait.ge @!p0 [sflag:s14], $0x2000;
	p1 =	sge.u32 @!p0 s16, s8  }
0x69: {  	[sflag:s14] =	ssyncset.done @!p0 $0x0;
	p2 =	por !p1, p0  }
0x6a: {  	[sflag:s14] =	ssyncadd.s32 @!p0 $0xFFFFE000;
	s14 =	simm.s32 @!p2 $0x6  }
0x6b: {  	_ =	swait.ge @!p2 [sflag:s14], $0x80  }
0x6c: {  	s16 =	simm.s32 @!p2 $0x280;
	[sflag:s14] =	ssyncset.done @!p2 $0x0  }
0x6d: {  	s17 =	simm.s32 @!p2 $0x2400;
	[sflag:s14] =	ssyncadd.s32 @!p2 $0xFFFFFF80;
	s14 =	simm.s32 @!p2 $0x40  }
0x6e: {  	[spmem:s3] =	stream.indirect.scatter.add.f32 @!p2 [tilespmem:s17], [sflag:$0xD], $0x80, s16, s14, $0xb8;
	[tilespmem:$0x1C000] =	vst v63  }
0x6f: {  	s14 =	simm.s32 @!p2 $0xD  }
0x70: {  	p0 =	por p1, p0;
	_ =	swait.ge @!p2 [sflag:s14], $0x2000  }
0x71: {  	s16 =	simm.s32 @!p0 $0x0;
	[sflag:s14] =	ssyncset.done @!p2 $0x0  }
0x72: {  	s17 =	simm.s32 @!p0 $0x80;
	[sflag:s14] =	ssyncadd.s32 @!p2 $0xFFFFE000;
	s14 =	sadd.s32 @!p0 s6, s23  }
0x73: {  	[tilespmem:s17], [sflag:$0xA] =	stream.linear.gather @!p0 [hbm4b:s14+s16], $0x80, $0x38;
	[tilespmem:$0x1C000] =	vst v63  }
0x74: {  	s14 =	simm.s32 @!p0 $0x6  }
0x75: {  	_ =	swait.ge @!p0 [sflag:s14], $0x80  }
0x76: {  	s18 =	simm.s32 @!p0 $0x280;
	s19 =	simm.s32 @!p0 $0x2400;
	[sflag:s14] =	ssyncset.done @!p0 $0x0  }
0x77: {  	s29 =	simm.s32 @!p0 $0xD;
	[sflag:s14] =	ssyncadd.s32 @!p0 $0xFFFFFF80;
	s14 =	simm.s32 @!p0 $0x40  }
0x78: {  	[spmem:s3] =	stream.indirect.scatter.add.f32 @!p0 [tilespmem:s19], [sflag:$0xD], $0x80, s18, s14, $0xb8;
	[tilespmem:$0x1C000] =	vst v63  }
0x79: {  	_ =	swait.ge @!p0 [sflag:s29], $0x2000  }
0x7a: {  	[sflag:s29] =	ssyncset.done @!p0 $0x0  }
0x7b: {  	[sflag:s29] =	ssyncadd.s32 @!p0 $0xFFFFE000;
	s29 =	sadd.s32 @!p0 s5, s23  }
0x7c: {  	[tilespmem:s18], [sflag:$0x6] =	stream.linear.gather @!p0 [hbm4b:s29+s16], $0x80, $0x38;
	[tilespmem:$0x1C000] =	vst v63  }
0x7d: {  	s16 =	simm.s32 @!p0 $0xA  }
0x7e: {  	_ =	swait.ge @!p0 [sflag:s16], $0x80  }
0x7f: {  	[sflag:s16] =	ssyncset.done @!p0 $0x0  }
0x80: {  	s18 =	sadd.s32 $0x2, s15;
	[sflag:s16] =	ssyncadd.s32 @!p0 $0xFFFFFF80  }
0x81: {  	[tilespmem:s19], [sflag:$0x2] =	stream.indirect.gather @!p0 [hbm4b:s1+s14], $0x80, s17, s14, $0xb8;
	[tilespmem:$0x1C000] =	vst v63  }
0x82: {  	p0 =	sge.u32 s18, s8  }
0x83: {  	s14 =	simm.s32 @!p0 $0x3;
	s16 =	sadd.s32 @!p0 $0x6, s15  }
0x84: {  	_ =	swait.ge @!p0 [sflag:s14], $0x2000;
	p1 =	sge.u32 @!p0 s16, s8  }
0x85: {  	[sflag:s14] =	ssyncset.done @!p0 $0x0;
	p2 =	por !p1, p0  }
0x86: {  	[sflag:s14] =	ssyncadd.s32 @!p0 $0xFFFFE000;
	s14 =	simm.s32 @!p2 $0x7  }
0x87: {  	_ =	swait.ge @!p2 [sflag:s14], $0x80  }
0x88: {  	s16 =	simm.s32 @!p2 $0x300;
	[sflag:s14] =	ssyncset.done @!p2 $0x0  }
0x89: {  	s17 =	simm.s32 @!p2 $0x4400;
	[sflag:s14] =	ssyncadd.s32 @!p2 $0xFFFFFF80;
	s14 =	simm.s32 @!p2 $0x40  }
0x8a: {  	[spmem:s3] =	stream.indirect.scatter.add.f32 @!p2 [tilespmem:s17], [sflag:$0xD], $0x80, s16, s14, $0xb8;
	[tilespmem:$0x1C000] =	vst v63  }
0x8b: {  	s14 =	simm.s32 @!p2 $0xD  }
0x8c: {  	p0 =	por p1, p0;
	_ =	swait.ge @!p2 [sflag:s14], $0x2000  }
0x8d: {  	s16 =	simm.s32 @!p0 $0x0;
	[sflag:s14] =	ssyncset.done @!p2 $0x0  }
0x8e: {  	s17 =	simm.s32 @!p0 $0x100;
	[sflag:s14] =	ssyncadd.s32 @!p2 $0xFFFFE000;
	s14 =	sadd.s32 @!p0 s6, s22  }
0x8f: {  	[tilespmem:s17], [sflag:$0xB] =	stream.linear.gather @!p0 [hbm4b:s14+s16], $0x80, $0x38;
	[tilespmem:$0x1C000] =	vst v63  }
0x90: {  	s14 =	simm.s32 @!p0 $0x7  }
0x91: {  	_ =	swait.ge @!p0 [sflag:s14], $0x80  }
0x92: {  	s18 =	simm.s32 @!p0 $0x300;
	s19 =	simm.s32 @!p0 $0x4400;
	[sflag:s14] =	ssyncset.done @!p0 $0x0  }
0x93: {  	s29 =	simm.s32 @!p0 $0xD;
	[sflag:s14] =	ssyncadd.s32 @!p0 $0xFFFFFF80;
	s14 =	simm.s32 @!p0 $0x40  }
0x94: {  	[spmem:s3] =	stream.indirect.scatter.add.f32 @!p0 [tilespmem:s19], [sflag:$0xD], $0x80, s18, s14, $0xb8;
	[tilespmem:$0x1C000] =	vst v63  }
0x95: {  	_ =	swait.ge @!p0 [sflag:s29], $0x2000  }
0x96: {  	[sflag:s29] =	ssyncset.done @!p0 $0x0  }
0x97: {  	[sflag:s29] =	ssyncadd.s32 @!p0 $0xFFFFE000;
	s29 =	sadd.s32 @!p0 s5, s22  }
0x98: {  	[tilespmem:s18], [sflag:$0x7] =	stream.linear.gather @!p0 [hbm4b:s29+s16], $0x80, $0x38;
	[tilespmem:$0x1C000] =	vst v63  }
0x99: {  	s16 =	simm.s32 @!p0 $0xB  }
0x9a: {  	_ =	swait.ge @!p0 [sflag:s16], $0x80  }
0x9b: {  	[sflag:s16] =	ssyncset.done @!p0 $0x0  }
0x9c: {  	[sflag:s16] =	ssyncadd.s32 @!p0 $0xFFFFFF80  }
0x9d: {  	[tilespmem:s19], [sflag:$0x3] =	stream.indirect.gather @!p0 [hbm4b:s1+s14], $0x80, s17, s14, $0xb8;
	[tilespmem:$0x1C000] =	vst v63  }
0x9e: {  	s19 =	sadd.s32 $0x3, s15  }
0x9f: {  	p0 =	sge.u32 s19, s8  }
0xa0: {  	s14 =	simm.s32 @!p0 $0x4;
	s16 =	sadd.s32 @!p0 $0x7, s15  }
0xa1: {  	_ =	swait.ge @!p0 [sflag:s14], $0x2000;
	p1 =	sge.u32 @!p0 s16, s8  }
0xa2: {  	[sflag:s14] =	ssyncset.done @!p0 $0x0;
	p2 =	por !p1, p0  }
0xa3: {  	[sflag:s14] =	ssyncadd.s32 @!p0 $0xFFFFE000;
	s14 =	simm.s32 @!p2 $0x8  }
0xa4: {  	_ =	swait.ge @!p2 [sflag:s14], $0x80  }
0xa5: {  	s16 =	simm.s32 @!p2 $0x380;
	[sflag:s14] =	ssyncset.done @!p2 $0x0  }
0xa6: {  	s17 =	simm.s32 @!p2 $0x6400;
	[sflag:s14] =	ssyncadd.s32 @!p2 $0xFFFFFF80;
	s14 =	simm.s32 @!p2 $0x40  }
0xa7: {  	[spmem:s3] =	stream.indirect.scatter.add.f32 @!p2 [tilespmem:s17], [sflag:$0xD], $0x80, s16, s14, $0xb8;
	[tilespmem:$0x1C000] =	vst v63  }
0xa8: {  	s14 =	simm.s32 @!p2 $0xD  }
0xa9: {  	p0 =	por p1, p0;
	_ =	swait.ge @!p2 [sflag:s14], $0x2000  }
0xaa: {  	s16 =	simm.s32 @!p0 $0x0;
	[sflag:s14] =	ssyncset.done @!p2 $0x0  }
0xab: {  	s17 =	simm.s32 @!p0 $0x180;
	[sflag:s14] =	ssyncadd.s32 @!p2 $0xFFFFE000;
	s14 =	sadd.s32 @!p0 s6, s21  }
0xac: {  	[tilespmem:s17], [sflag:$0xC] =	stream.linear.gather @!p0 [hbm4b:s14+s16], $0x80, $0x38;
	[tilespmem:$0x1C000] =	vst v63  }
0xad: {  	s14 =	simm.s32 @!p0 $0x8  }
0xae: {  	_ =	swait.ge @!p0 [sflag:s14], $0x80  }
0xaf: {  	s18 =	simm.s32 @!p0 $0x380;
	s19 =	simm.s32 @!p0 $0x6400;
	[sflag:s14] =	ssyncset.done @!p0 $0x0  }
0xb0: {  	s29 =	simm.s32 @!p0 $0xD;
	[sflag:s14] =	ssyncadd.s32 @!p0 $0xFFFFFF80;
	s14 =	simm.s32 @!p0 $0x40  }
0xb1: {  	[spmem:s3] =	stream.indirect.scatter.add.f32 @!p0 [tilespmem:s19], [sflag:$0xD], $0x80, s18, s14, $0xb8;
	[tilespmem:$0x1C000] =	vst v63  }
0xb2: {  	_ =	swait.ge @!p0 [sflag:s29], $0x2000  }
0xb3: {  	[sflag:s29] =	ssyncset.done @!p0 $0x0  }
0xb4: {  	[sflag:s29] =	ssyncadd.s32 @!p0 $0xFFFFE000;
	s29 =	sadd.s32 @!p0 s5, s21  }
0xb5: {  	[tilespmem:s18], [sflag:$0x8] =	stream.linear.gather @!p0 [hbm4b:s29+s16], $0x80, $0x38;
	[tilespmem:$0x1C000] =	vst v63  }
0xb6: {  	s16 =	simm.s32 @!p0 $0xC  }
0xb7: {  	_ =	swait.ge @!p0 [sflag:s16], $0x80  }
0xb8: {  	[sflag:s16] =	ssyncset.done @!p0 $0x0  }
0xb9: {  	s15 =	sadd.s32 $0x4, s15;
	s29 =	rddreg [dreg:$0x5];
	[sflag:s16] =	ssyncadd.s32 @!p0 $0xFFFFFF80  }
0xba: {  	[tilespmem:s19], [sflag:$0x4] =	stream.indirect.gather @!p0 [hbm4b:s1+s14], $0x80, s17, s14, $0xb8;
	[tilespmem:$0x1C000] =	vst v63  }
0xbb: {  	p0 =	sne.s32 s29, s15  }
.Ltmp0:
0xbc: {  	_ = 	snop;
	(pc) =	sbr.rel @p0 .LBB2_2-.Ltmp0, $2  }
0xbd: {  	_ =	sdelay $0x2  }
0xbe: {  	s20 =	sadd.s32 $0x200, s20;
	s6 =	sadd.s32 $0x40, s6;
	s5 =	sadd.s32 $0x40, s5  }
0xbf: {  	[bflag:$0x0] =	sbarrier.arrive $0xFFFF  }
0xc0: {  	[hbm:s24], [sflag:s10] =	dma.local [spmem:s11], $0x2780  }
0xc1: {  	_ =	swait.ge [sflag:s25], $0x2780  }
0xc2: {  	s9 =	sadd.s32 $0x1, s9;
	s5 =	rddreg [dreg:$0x10]  }
0xc3: {  	p0 =	sne.s32 s9, s5  }
.Ltmp1:
0xc4: {  	_ = 	snop;
	(pc) =	sbr.rel @p0 .LBB2_1-.Ltmp1, $3  }
0xc5: {  	_ =	sdelay $0x1  }
0xc6: {  	[sflag:s25] =	ssyncset.done $0x0  }
0xc7: {  	[sflag:s25] =	ssyncadd.s32 $0xFFFFD880  }
0xc8: {  	_ =	sfence.sel $0x180000  }
0xc9: {  	[bflag:$0x0] =	sbarrier.arrive $0xFFFF  }
0xca: {  	_ =	strace $0x90000047  }
0xcb: {  	s0 =	stileid.u32;
	[bflag:$0x2] =	sbarrier.arrive $0xFFFF  }
0xcc: {  	p0 =	sne.s32 s0, $0x0;
	s0 =	rddreg [dreg:$0x3]  }
0xcd: {  	s0 =	sadd.s32 @!p0 $0x100000, s0  }
0xce: {  	[sflag:s0] =	ssyncadd.tile.s32 @!p0 $0x1;
	_ =	shalt  }
.Lfunc_end2:
_tile_overlayer_lowered:
.L_overlay_start_2:
0xcf: {  	(tag) =	ssettag $0x2  }
0xd0: {  	s0 =	rddreg [dreg:$0x0];
	s2 =	stileid.u32  }
0xd1: {  	s1 =	rddreg [dreg:$0x1];
	p0 =	sne.s32 s2, $0x0  }
0xd2: {  	s3 =	rddreg [dreg:$0x2];
	[bflag:$0x3] =	sbarrier.arrive $0xFFFF;
	s2 =	simm.s32 @!p0 $0x1C0D  }
0xd3: {  	[timem:s3], [sflag:s2] =	dma.local @!p0 [hbm:s0], s1  }
0xd4: {  	s0 =	simm.s32 @!p0 $0xD  }
0xd5: {  	_ =	swait.ge @!p0 [sflag:s0], s1  }
0xd6: {  	s1 =	ssub.s32 @!p0 $0x0, s1;
	[sflag:s0] =	ssyncset.done @!p0 $0x0  }
0xd7: {  	[sflag:s0] =	ssyncadd.s32 @!p0 s1  }
0xd8: {  	[bflag:$0x3] =	sbarrier.arrive $0xFFFF  }
0xd9: {  	_ =	shalt  }

</sc_bundles>
